<compile_context>
chip_gen: v7x
topology: tpu7x:2x2x1
jax: 0.10.2.dev20260603
libtpu: 0.0.44.dev20260713+nightly
codegen_flags: <defaults>
</compile_context>

<pallas_src>
import functools

import jax
import jax.numpy as jnp
from jax import lax
from jax.experimental import pallas as pl
from jax.experimental.pallas import tpu as pltpu
from jax.experimental.pallas import tpu_sc as plsc

N = 10000
NP = 10240
E = 320000
NT = 32
CHH = 128
NCHH = 80
CH = 64
NCH = 160
EP = NT * NCH * CH
RPS = NP // 16

_F32 = jnp.float32


def _mesh():
    return plsc.VectorSubcoreMesh(core_axis_name="c", subcore_axis_name="s")


def _hist_body(idx_hbm, ones_hbm, zeros_hbm, pdeg_hbm,
               idx_v, ones_v, acc_sh):
    c = lax.axis_index("c")
    s = lax.axis_index("s")
    wid = c * 16 + s
    pltpu.sync_copy(zeros_hbm, acc_sh.at[pl.ds(s * RPS, RPS)])
    pltpu.sync_copy(ones_hbm, ones_v)
    pltpu.sync_copy(idx_hbm.at[wid], idx_v)
    plsc.subcore_barrier()

    def step(j, carry):
        pltpu.sync_copy(ones_v, acc_sh.at[idx_v.at[j]], add=True)
        return carry

    lax.fori_loop(0, NCHH, step, 0)
    plsc.subcore_barrier()
    rows = pl.ds(s * RPS, RPS)
    pltpu.sync_copy(acc_sh.at[rows], pdeg_hbm.at[c, rows])


_hist = pl.kernel(
    _hist_body,
    out_type=jax.ShapeDtypeStruct((2, NP, 128), _F32),
    mesh=_mesh(),
    scratch_types=[
        pltpu.VMEM((NCHH, CHH), jnp.int32),
        pltpu.VMEM((CHH, 128), _F32),
        pltpu.VMEM_SHARED((NP, 128), _F32),
    ],
)


def _agg_body(m_hbm, src_hbm, dst_hbm, zeros_hbm, out_hbm,
              src_v, dst_v, rows4, acc_sh, gsem, ssem):
    c = lax.axis_index("c")
    s = lax.axis_index("s")
    wid = c * 16 + s
    pltpu.sync_copy(zeros_hbm, acc_sh.at[pl.ds(s * RPS, RPS)])
    pltpu.sync_copy(src_hbm.at[wid], src_v)
    pltpu.sync_copy(dst_hbm.at[wid], dst_v)
    plsc.subcore_barrier()

    def step(jj, carry):
        @pl.when((jj >= 2) & (jj < NCH + 2))
        def _():
            j = jj - 2
            b = lax.rem(j, 3)
            pltpu.make_async_copy(m_hbm.at[src_v.at[j]], rows4.at[b],
                                  gsem).wait()
            pltpu.async_copy(rows4.at[b], acc_sh.at[dst_v.at[j]], ssem,
                             add=True)

        @pl.when(jj >= 3)
        def _():
            j = jj - 3
            b = lax.rem(j, 3)
            pltpu.make_async_copy(rows4.at[b], acc_sh.at[dst_v.at[j]],
                                  ssem).wait()

            @pl.when(jj < NCH)
            def _():
                pltpu.async_copy(m_hbm.at[src_v.at[jj]], rows4.at[b], gsem)

        @pl.when(jj < 3)
        def _():
            pltpu.async_copy(m_hbm.at[src_v.at[jj]],
                             rows4.at[lax.rem(jj, 3)], gsem)

        return carry

    lax.fori_loop(0, NCH + 3, step, 0)
    plsc.subcore_barrier()
    rows = pl.ds(s * RPS, RPS)
    pltpu.sync_copy(acc_sh.at[rows], out_hbm.at[c, rows])


_agg = pl.kernel(
    _agg_body,
    out_type=jax.ShapeDtypeStruct((2, NP, 128), _F32),
    mesh=_mesh(),
    compiler_params=pltpu.CompilerParams(use_tc_tiling_on_sc=False),
    scratch_types=[
        pltpu.VMEM((NCH, CH), jnp.int32),
        pltpu.VMEM((NCH, CH), jnp.int32),
        pltpu.VMEM((3, CH, 128), _F32),
        pltpu.VMEM_SHARED((NP, 128), _F32),
        pltpu.SemaphoreType.DMA,
        pltpu.SemaphoreType.DMA,
    ],
)


def _scales_body(sdeg_ref, ddeg_ref, os_ref, is_ref, c_ref):
    sd = sdeg_ref[0, :, 0:1] + sdeg_ref[1, :, 0:1]
    dd = ddeg_ref[0, :, 0:1] + ddeg_ref[1, :, 0:1]
    os_ = lax.rsqrt(jnp.maximum(sd, 1.0))
    is_ = lax.rsqrt(jnp.maximum(dd, 1.0))
    os_ref[...] = os_
    is_ref[...] = is_
    c_ref[...] = os_ * is_


def _scales(sdeg, ddeg, block=2048):
    return pl.pallas_call(
        _scales_body,
        grid=(NP // block,),
        in_specs=[pl.BlockSpec((2, block, 128), lambda i: (0, i, 0)),
                  pl.BlockSpec((2, block, 128), lambda i: (0, i, 0))],
        out_specs=tuple(pl.BlockSpec((block, 1), lambda i: (i, 0))
                        for _ in range(3)),
        out_shape=(jax.ShapeDtypeStruct((NP, 1), _F32),) * 3,
    )(sdeg, ddeg)


def _mm1_body(x_ref, s_ref, w_ref, o_ref):
    o_ref[...] = jnp.dot(x_ref[...] * s_ref[...], w_ref[...],
                         preferred_element_type=_F32)


def _mm1(x, svec, w, block=1024):
    d_in, d_out = w.shape
    return pl.pallas_call(
        _mm1_body,
        grid=(NP // block,),
        in_specs=[
            pl.BlockSpec((block, d_in), lambda i: (i, 0)),
            pl.BlockSpec((block, 1), lambda i: (i, 0)),
            pl.BlockSpec((d_in, d_out), lambda i: (0, 0)),
        ],
        out_specs=pl.BlockSpec((block, d_out), lambda i: (i, 0)),
        out_shape=jax.ShapeDtypeStruct((NP, d_out), _F32),
    )(x, svec, w)


def _mm2_body(p_ref, c_ref, w_ref, o_ref):
    h = jnp.maximum(p_ref[0] + p_ref[1], 0.0) * c_ref[...]
    o_ref[...] = jnp.dot(h, w_ref[...], preferred_element_type=_F32)


def _mm2(p, cvec, w, block=1024):
    d_in, d_out = w.shape
    return pl.pallas_call(
        _mm2_body,
        grid=(NP // block,),
        in_specs=[
            pl.BlockSpec((2, block, d_in), lambda i: (0, i, 0)),
            pl.BlockSpec((block, 1), lambda i: (i, 0)),
            pl.BlockSpec((d_in, d_out), lambda i: (0, 0)),
        ],
        out_specs=pl.BlockSpec((block, d_out), lambda i: (i, 0)),
        out_shape=jax.ShapeDtypeStruct((NP, d_out), _F32),
    )(p, cvec, w)


def _final_body(p_ref, is_ref, o_ref):
    o_ref[...] = (p_ref[0, :, :64] + p_ref[1, :, :64]) * is_ref[...]


def _final(p, ivec, block=2048):
    return pl.pallas_call(
        _final_body,
        grid=(NP // block,),
        in_specs=[
            pl.BlockSpec((2, block, 128), lambda i: (0, i, 0)),
            pl.BlockSpec((block, 1), lambda i: (i, 0)),
        ],
        out_specs=pl.BlockSpec((block, 64), lambda i: (i, 0)),
        out_shape=jax.ShapeDtypeStruct((NP, 64), _F32),
    )(p, ivec)


def kernel(features, edge_index, W0, W1, W2):
    x = jnp.pad(features, ((0, NP - N), (0, 0)))
    ei = edge_index.astype(jnp.int32)
    pad = EP - E
    sink = N + (jnp.arange(pad, dtype=jnp.int32) % 128)
    src_flat = jnp.concatenate([ei[0], sink])
    dst_flat = jnp.concatenate([ei[1], sink])
    src = src_flat.reshape(NT, NCH, CH)
    dst = dst_flat.reshape(NT, NCH, CH)
    src_h = src_flat.reshape(NT, NCHH, CHH)
    dst_h = dst_flat.reshape(NT, NCHH, CHH)

    ones128 = jnp.ones((CHH, 128), _F32)
    zeros128 = jnp.zeros((RPS, 128), _F32)
    W2p = jnp.pad(W2, ((0, 0), (0, 128 - W2.shape[1])))

    sdeg = _hist(src_h, ones128, zeros128)
    ddeg = _hist(dst_h, ones128, zeros128)
    out_s, in_s, cvec = _scales(sdeg, ddeg)

    m0 = _mm1(x, out_s, W0)
    p0 = _agg(m0, src, dst, zeros128)
    m1 = _mm2(p0, cvec, W1)
    p1 = _agg(m1, src, dst, zeros128)
    m2 = _mm2(p1, cvec, W2p)
    p2 = _agg(m2, src, dst, zeros128)
    out = _final(p2, in_s)
    return out[:N]

# --- scband reference (transcript-rebuilt; emitter-appended) ---
"""Pipeline reference for scband-deep-gcn-35613868818502 (READ-ONLY COPY).

The authoritative reference and input builder live on the scoring server;
editing this copy changes nothing except your own understanding.
"""

import jax, jax.numpy as jnp
import numpy as np

N_NODES = 10000
N_EDGES = 320000
D_IN = 128
D_HID = 128
D_OUT = 64


def setup_inputs(seed: int = 0) -> dict:
    key = jax.random.key(seed)
    k1, k2, k3, k4, k5 = jax.random.split(key, 5)
    features = jax.random.normal(k1, (N_NODES, D_IN), dtype=jnp.float32)
    edge_index = jax.random.randint(k2, (2, N_EDGES), 0, N_NODES)
    # Glorot-style weight init per GraphConv layer (bias=False)
    W0 = jax.random.normal(k3, (D_IN, D_HID), dtype=jnp.float32) * (1.0 / np.sqrt(D_IN))
    W1 = jax.random.normal(k4, (D_HID, D_HID), dtype=jnp.float32) * (1.0 / np.sqrt(D_HID))
    W2 = jax.random.normal(k5, (D_HID, D_OUT), dtype=jnp.float32) * (1.0 / np.sqrt(D_HID))
    return {"features": features, "edge_index": edge_index, "W0": W0, "W1": W1, "W2": W2}


def _gcn_layer(x, W, src, dst):
    # DGL GraphConv with norm='both', bias=False, allow_zero_in_degree=True
    n = x.shape[0]
    out_deg = jnp.zeros((n,), dtype=x.dtype).at[src].add(1.0)
    out_deg = jnp.clip(out_deg, 1.0, None)
    h = x * (out_deg ** -0.5)[:, None]
    h = h @ W
    agg = jnp.zeros((n, h.shape[1]), dtype=h.dtype).at[dst].add(h[src])
    in_deg = jnp.zeros((n,), dtype=x.dtype).at[dst].add(1.0)
    in_deg = jnp.clip(in_deg, 1.0, None)
    return agg * (in_deg ** -0.5)[:, None]


def reference(features, edge_index, W0, W1, W2):
    # eval mode: F.dropout is identity
    src = edge_index[0]
    dst = edge_index[1]
    h = _gcn_layer(features, W0, src, dst)
    h = jax.nn.relu(h)  # activation=True
    h = _gcn_layer(h, W1, src, dst)
    h = jax.nn.relu(h)
    h = _gcn_layer(h, W2, src, dst)
    return h

if __name__ == "__main__":
    import jax
    _d = setup_inputs()
    print(jax.jit(kernel)(*tuple(_d.values())))

</pallas_src>

<mosaic_0001>
#map = affine_map<(d0, d1) -> (0, 0)>
#map1 = affine_map<(d0, d1) -> (0, 0, 0)>
module attributes {stable_mosaic.version = 14 : i64} {
  func.func @_agg_body(%arg0: i32, %arg1: i32, %arg2: memref<10240x128xf32, #tpu.memory_space<hbm>>, %arg3: memref<32x160x64xi32, #tpu.memory_space<hbm>>, %arg4: memref<32x160x64xi32, #tpu.memory_space<hbm>>, %arg5: memref<640x128xf32, #tpu.memory_space<hbm>>, %arg6: memref<2x10240x128xf32, #tpu.memory_space<hbm>>, %arg7: memref<160x64xi32, #tpu.memory_space<vmem>>, %arg8: memref<160x64xi32, #tpu.memory_space<vmem>>, %arg9: memref<3x64x128xf32, #tpu.memory_space<vmem>>, %arg10: memref<10240x128xf32, #tpu.memory_space<vmem_shared>>, %arg11: memref<!tpu.dma_semaphore, #tpu.memory_space<semaphore_mem>>, %arg12: memref<!tpu.dma_semaphore, #tpu.memory_space<semaphore_mem>>) attributes {dimension_semantics = [#tpu.dimension_semantics<core_parallel>, #tpu.dimension_semantics<subcore_parallel>], iteration_bounds = array<i64: 2, 16>, scalar_prefetch = 0 : i64, scratch_operands = 6 : i64, tpu.core_type = #tpu.core_type<sc_vector_subcore>, window_params = [{transform_indices = #map}, {transform_indices = #map1}, {transform_indices = #map1}, {transform_indices = #map}, {transform_indices = #map1}]} {
    %mul3A = arith.constant 16 : i32
    %mul3A_0 = arith.muli %arg0, %mul3A : i32
    %add3A = arith.addi %mul3A_0, %arg1 : i32
    %mul3A_1 = arith.constant 640 : i32
    %mul3A_2 = arith.muli %arg1, %mul3A_1 : i32
    "tpu.region"() ({
      %run_scoped3A = tpu.sem_alloc : memref<!tpu.dma_semaphore, #tpu.memory_space<semaphore_mem>>
      %dma_start3A = arith.constant 0 : i32
      %dma_start3A_11 = tpu.memref_slice %arg10[%mul3A_2, %dma_start3A] : memref<10240x128xf32, #tpu.memory_space<vmem_shared>> -> memref<640x128xf32, #tpu.memory_space<vmem_shared>>
      tpu.enqueue_dma source(%arg5 : memref<640x128xf32, #tpu.memory_space<hbm>>) target(%dma_start3A_11 : memref<640x128xf32, #tpu.memory_space<vmem_shared>>) target_semaphore(%run_scoped3A : memref<!tpu.dma_semaphore, #tpu.memory_space<semaphore_mem>>)
      %dma_wait3A = arith.constant 0 : i32
      %dma_wait3A_12 = tpu.memref_slice %arg10[%mul3A_2, %dma_wait3A] : memref<10240x128xf32, #tpu.memory_space<vmem_shared>> -> memref<640x128xf32, #tpu.memory_space<vmem_shared>>
      tpu.wait_dma2 semaphore(%run_scoped3A : memref<!tpu.dma_semaphore, #tpu.memory_space<semaphore_mem>>) src(%arg5 : memref<640x128xf32, #tpu.memory_space<hbm>>) dst(%dma_wait3A_12 : memref<640x128xf32, #tpu.memory_space<vmem_shared>>)
      tpu.yield
    }) : () -> ()
    "tpu.region"() ({
      %run_scoped3A = tpu.sem_alloc : memref<!tpu.dma_semaphore, #tpu.memory_space<semaphore_mem>>
      %dma_start3A = arith.constant 0 : i32
      %dma_start3A_11 = arith.constant 0 : i32
      %dma_start3A_12 = tpu.memref_slice %arg3[%add3A, %dma_start3A, %dma_start3A_11] : memref<32x160x64xi32, #tpu.memory_space<hbm>> -> memref<1x160x64xi32, #tpu.memory_space<hbm>>
      %dma_start3A_13 = tpu.memref_squeeze %dma_start3A_12 : memref<1x160x64xi32, #tpu.memory_space<hbm>> -> memref<160x64xi32, #tpu.memory_space<hbm>>
      %dma_start3A_14 = arith.constant 0 : i32
      %dma_start3A_15 = arith.constant 0 : i32
      %dma_start3A_16 = tpu.memref_slice %arg3[%add3A, %dma_start3A_14, %dma_start3A_15] : memref<32x160x64xi32, #tpu.memory_space<hbm>> -> memref<1x160x64xi32, #tpu.memory_space<hbm>>
      %dma_start3A_17 = tpu.memref_squeeze %dma_start3A_16 : memref<1x160x64xi32, #tpu.memory_space<hbm>> -> memref<160x64xi32, #tpu.memory_space<hbm>>
      tpu.enqueue_dma source(%dma_start3A_17 : memref<160x64xi32, #tpu.memory_space<hbm>>) target(%arg7 : memref<160x64xi32, #tpu.memory_space<vmem>>) target_semaphore(%run_scoped3A : memref<!tpu.dma_semaphore, #tpu.memory_space<semaphore_mem>>)
      %dma_wait3A = arith.constant 0 : i32
      %dma_wait3A_18 = arith.constant 0 : i32
      %dma_wait3A_19 = tpu.memref_slice %arg3[%add3A, %dma_wait3A, %dma_wait3A_18] : memref<32x160x64xi32, #tpu.memory_space<hbm>> -> memref<1x160x64xi32, #tpu.memory_space<hbm>>
      %dma_wait3A_20 = tpu.memref_squeeze %dma_wait3A_19 : memref<1x160x64xi32, #tpu.memory_space<hbm>> -> memref<160x64xi32, #tpu.memory_space<hbm>>
      %dma_wait3A_21 = arith.constant 0 : i32
      %dma_wait3A_22 = arith.constant 0 : i32
      %dma_wait3A_23 = tpu.memref_slice %arg3[%add3A, %dma_wait3A_21, %dma_wait3A_22] : memref<32x160x64xi32, #tpu.memory_space<hbm>> -> memref<1x160x64xi32, #tpu.memory_space<hbm>>
      %dma_wait3A_24 = tpu.memref_squeeze %dma_wait3A_23 : memref<1x160x64xi32, #tpu.memory_space<hbm>> -> memref<160x64xi32, #tpu.memory_space<hbm>>
      tpu.wait_dma2 semaphore(%run_scoped3A : memref<!tpu.dma_semaphore, #tpu.memory_space<semaphore_mem>>) src(%dma_wait3A_24 : memref<160x64xi32, #tpu.memory_space<hbm>>) dst(%arg7 : memref<160x64xi32, #tpu.memory_space<vmem>>)
      tpu.yield
    }) : () -> ()
    "tpu.region"() ({
      %run_scoped3A = tpu.sem_alloc : memref<!tpu.dma_semaphore, #tpu.memory_space<semaphore_mem>>
      %dma_start3A = arith.constant 0 : i32
      %dma_start3A_11 = arith.constant 0 : i32
      %dma_start3A_12 = tpu.memref_slice %arg4[%add3A, %dma_start3A, %dma_start3A_11] : memref<32x160x64xi32, #tpu.memory_space<hbm>> -> memref<1x160x64xi32, #tpu.memory_space<hbm>>
      %dma_start3A_13 = tpu.memref_squeeze %dma_start3A_12 : memref<1x160x64xi32, #tpu.memory_space<hbm>> -> memref<160x64xi32, #tpu.memory_space<hbm>>
      %dma_start3A_14 = arith.constant 0 : i32
      %dma_start3A_15 = arith.constant 0 : i32
      %dma_start3A_16 = tpu.memref_slice %arg4[%add3A, %dma_start3A_14, %dma_start3A_15] : memref<32x160x64xi32, #tpu.memory_space<hbm>> -> memref<1x160x64xi32, #tpu.memory_space<hbm>>
      %dma_start3A_17 = tpu.memref_squeeze %dma_start3A_16 : memref<1x160x64xi32, #tpu.memory_space<hbm>> -> memref<160x64xi32, #tpu.memory_space<hbm>>
      tpu.enqueue_dma source(%dma_start3A_17 : memref<160x64xi32, #tpu.memory_space<hbm>>) target(%arg8 : memref<160x64xi32, #tpu.memory_space<vmem>>) target_semaphore(%run_scoped3A : memref<!tpu.dma_semaphore, #tpu.memory_space<semaphore_mem>>)
      %dma_wait3A = arith.constant 0 : i32
      %dma_wait3A_18 = arith.constant 0 : i32
      %dma_wait3A_19 = tpu.memref_slice %arg4[%add3A, %dma_wait3A, %dma_wait3A_18] : memref<32x160x64xi32, #tpu.memory_space<hbm>> -> memref<1x160x64xi32, #tpu.memory_space<hbm>>
      %dma_wait3A_20 = tpu.memref_squeeze %dma_wait3A_19 : memref<1x160x64xi32, #tpu.memory_space<hbm>> -> memref<160x64xi32, #tpu.memory_space<hbm>>
      %dma_wait3A_21 = arith.constant 0 : i32
      %dma_wait3A_22 = arith.constant 0 : i32
      %dma_wait3A_23 = tpu.memref_slice %arg4[%add3A, %dma_wait3A_21, %dma_wait3A_22] : memref<32x160x64xi32, #tpu.memory_space<hbm>> -> memref<1x160x64xi32, #tpu.memory_space<hbm>>
      %dma_wait3A_24 = tpu.memref_squeeze %dma_wait3A_23 : memref<1x160x64xi32, #tpu.memory_space<hbm>> -> memref<160x64xi32, #tpu.memory_space<hbm>>
      tpu.wait_dma2 semaphore(%run_scoped3A : memref<!tpu.dma_semaphore, #tpu.memory_space<semaphore_mem>>) src(%dma_wait3A_24 : memref<160x64xi32, #tpu.memory_space<hbm>>) dst(%arg8 : memref<160x64xi32, #tpu.memory_space<vmem>>)
      tpu.yield
    }) : () -> ()
    %barrier3A = arith.constant 0 : index
    tpu.barrier barrier_id(%barrier3A)
    %scan3A = arith.constant 0 : i32
    %scan3A_3 = arith.constant 0 : i32
    %scan3A_4 = arith.constant 163 : i32
    %scan3A_5 = arith.addi %scan3A_3, %scan3A_4 : i32
    %scan3A_6 = arith.constant 1 : i32
    scf.for %scan3A_11 = %scan3A_3 to %scan3A_5 step %scan3A_6  : i32 {
      %ge3A = arith.constant 2 : i32
      %ge3A_12 = arith.cmpi sge, %scan3A_11, %ge3A : i32
      %lt3A = arith.constant 162 : i32
      %lt3A_13 = arith.cmpi slt, %scan3A_11, %lt3A : i32
      %and3A = arith.andi %ge3A_12, %lt3A_13 : i1
      %convert_element_type3A = arith.extui %and3A : i1 to i32
      %cond3A = arith.constant 0 : i32
      %cond3A_14 = arith.cmpi ne, %convert_element_type3A, %cond3A : i32
      scf.if %cond3A_14 {
        %sub3A = arith.constant 2 : i32
        %sub3A_25 = arith.subi %scan3A_11, %sub3A : i32
        %rem3A = arith.constant 3 : i32
        %rem3A_26 = arith.remsi %sub3A_25, %rem3A : i32
        %dma_wait3A = arith.constant 0 : i32
        %dma_wait3A_27 = arith.constant 0 : i32
        %dma_wait3A_28 = tpu.memref_slice %arg9[%rem3A_26, %dma_wait3A, %dma_wait3A_27] : memref<3x64x128xf32, #tpu.memory_space<vmem>> -> memref<1x64x128xf32, #tpu.memory_space<vmem>>
        %dma_wait3A_29 = tpu.memref_squeeze %dma_wait3A_28 : memref<1x64x128xf32, #tpu.memory_space<vmem>> -> memref<64x128xf32, #tpu.memory_space<vmem>>
        %dma_wait3A_30 = arith.constant 0 : i32
        %dma_wait3A_31 = tpu.memref_slice %arg7[%sub3A_25, %dma_wait3A_30] : memref<160x64xi32, #tpu.memory_space<vmem>> -> memref<1x64xi32, #tpu.memory_space<vmem>>
        %dma_wait3A_32 = tpu.memref_squeeze %dma_wait3A_31 : memref<1x64xi32, #tpu.memory_space<vmem>> -> memref<64xi32, #tpu.memory_space<vmem>>
        %dma_wait3A_33 = arith.constant 0 : i32
        %dma_wait3A_34 = arith.constant 0 : i32
        %dma_wait3A_35 = tpu.memref_slice %arg2[%dma_wait3A_33, %dma_wait3A_34] : memref<10240x128xf32, #tpu.memory_space<hbm>> -> memref<10240x128xf32, #tpu.memory_space<hbm>>
        tpu.wait_indirect_dma semaphore(%arg11 : memref<!tpu.dma_semaphore, #tpu.memory_space<semaphore_mem>>) src(%dma_wait3A_35 : memref<10240x128xf32, #tpu.memory_space<hbm>>) dst(%dma_wait3A_29 : memref<64x128xf32, #tpu.memory_space<vmem>>)
        %dma_start3A = arith.constant 0 : i32
        %dma_start3A_36 = arith.constant 0 : i32
        %dma_start3A_37 = tpu.memref_slice %arg9[%rem3A_26, %dma_start3A, %dma_start3A_36] : memref<3x64x128xf32, #tpu.memory_space<vmem>> -> memref<1x64x128xf32, #tpu.memory_space<vmem>>
        %dma_start3A_38 = tpu.memref_squeeze %dma_start3A_37 : memref<1x64x128xf32, #tpu.memory_space<vmem>> -> memref<64x128xf32, #tpu.memory_space<vmem>>
        %dma_start3A_39 = arith.constant 0 : i32
        %dma_start3A_40 = tpu.memref_slice %arg8[%sub3A_25, %dma_start3A_39] : memref<160x64xi32, #tpu.memory_space<vmem>> -> memref<1x64xi32, #tpu.memory_space<vmem>>
        %dma_start3A_41 = tpu.memref_squeeze %dma_start3A_40 : memref<1x64xi32, #tpu.memory_space<vmem>> -> memref<64xi32, #tpu.memory_space<vmem>>
        %dma_start3A_42 = arith.constant 0 : i32
        %dma_start3A_43 = arith.constant 0 : i32
        %dma_start3A_44 = tpu.memref_slice %arg10[%dma_start3A_42, %dma_start3A_43] : memref<10240x128xf32, #tpu.memory_space<vmem_shared>> -> memref<10240x128xf32, #tpu.memory_space<vmem_shared>>
        tpu.enqueue_indirect_dma source(%dma_start3A_38 : memref<64x128xf32, #tpu.memory_space<vmem>>) target(%dma_start3A_44 : memref<10240x128xf32, #tpu.memory_space<vmem_shared>>) offsets(%dma_start3A_41 : memref<64xi32, #tpu.memory_space<vmem>>) semaphore(%arg12 : memref<!tpu.dma_semaphore, #tpu.memory_space<semaphore_mem>>) {add = true}
      } else {
      }
      %ge3A_15 = arith.constant 3 : i32
      %ge3A_16 = arith.cmpi sge, %scan3A_11, %ge3A_15 : i32
      %convert_element_type3A_17 = arith.extui %ge3A_16 : i1 to i32
      %cond3A_18 = arith.constant 0 : i32
      %cond3A_19 = arith.cmpi ne, %convert_element_type3A_17, %cond3A_18 : i32
      scf.if %cond3A_19 {
        %sub3A = arith.constant 3 : i32
        %sub3A_25 = arith.subi %scan3A_11, %sub3A : i32
        %rem3A = arith.constant 3 : i32
        %rem3A_26 = arith.remsi %sub3A_25, %rem3A : i32
        %dma_wait3A = arith.constant 0 : i32
        %dma_wait3A_27 = arith.constant 0 : i32
        %dma_wait3A_28 = tpu.memref_slice %arg9[%rem3A_26, %dma_wait3A, %dma_wait3A_27] : memref<3x64x128xf32, #tpu.memory_space<vmem>> -> memref<1x64x128xf32, #tpu.memory_space<vmem>>
        %dma_wait3A_29 = tpu.memref_squeeze %dma_wait3A_28 : memref<1x64x128xf32, #tpu.memory_space<vmem>> -> memref<64x128xf32, #tpu.memory_space<vmem>>
        %dma_wait3A_30 = arith.constant 0 : i32
        %dma_wait3A_31 = tpu.memref_slice %arg8[%sub3A_25, %dma_wait3A_30] : memref<160x64xi32, #tpu.memory_space<vmem>> -> memref<1x64xi32, #tpu.memory_space<vmem>>
        %dma_wait3A_32 = tpu.memref_squeeze %dma_wait3A_31 : memref<1x64xi32, #tpu.memory_space<vmem>> -> memref<64xi32, #tpu.memory_space<vmem>>
        %dma_wait3A_33 = arith.constant 0 : i32
        %dma_wait3A_34 = arith.constant 0 : i32
        %dma_wait3A_35 = tpu.memref_slice %arg10[%dma_wait3A_33, %dma_wait3A_34] : memref<10240x128xf32, #tpu.memory_space<vmem_shared>> -> memref<10240x128xf32, #tpu.memory_space<vmem_shared>>
        tpu.wait_indirect_dma semaphore(%arg12 : memref<!tpu.dma_semaphore, #tpu.memory_space<semaphore_mem>>) src(%dma_wait3A_29 : memref<64x128xf32, #tpu.memory_space<vmem>>) dst(%dma_wait3A_35 : memref<10240x128xf32, #tpu.memory_space<vmem_shared>>)
        %lt3A_36 = arith.constant 160 : i32
        %lt3A_37 = arith.cmpi slt, %scan3A_11, %lt3A_36 : i32
        %convert_element_type3A_38 = arith.extui %lt3A_37 : i1 to i32
        %cond3A_39 = arith.constant 0 : i32
        %cond3A_40 = arith.cmpi ne, %convert_element_type3A_38, %cond3A_39 : i32
        scf.if %cond3A_40 {
          %dma_start3A = arith.constant 0 : i32
          %dma_start3A_41 = arith.constant 0 : i32
          %dma_start3A_42 = tpu.memref_slice %arg9[%rem3A_26, %dma_start3A, %dma_start3A_41] : memref<3x64x128xf32, #tpu.memory_space<vmem>> -> memref<1x64x128xf32, #tpu.memory_space<vmem>>
          %dma_start3A_43 = tpu.memref_squeeze %dma_start3A_42 : memref<1x64x128xf32, #tpu.memory_space<vmem>> -> memref<64x128xf32, #tpu.memory_space<vmem>>
          %dma_start3A_44 = arith.constant 0 : i32
          %dma_start3A_45 = tpu.memref_slice %arg7[%scan3A_11, %dma_start3A_44] : memref<160x64xi32, #tpu.memory_space<vmem>> -> memref<1x64xi32, #tpu.memory_space<vmem>>
          %dma_start3A_46 = tpu.memref_squeeze %dma_start3A_45 : memref<1x64xi32, #tpu.memory_space<vmem>> -> memref<64xi32, #tpu.memory_space<vmem>>
          %dma_start3A_47 = arith.constant 0 : i32
          %dma_start3A_48 = arith.constant 0 : i32
          %dma_start3A_49 = tpu.memref_slice %arg2[%dma_start3A_47, %dma_start3A_48] : memref<10240x128xf32, #tpu.memory_space<hbm>> -> memref<10240x128xf32, #tpu.memory_space<hbm>>
          tpu.enqueue_indirect_dma source(%dma_start3A_49 : memref<10240x128xf32, #tpu.memory_space<hbm>>) target(%dma_start3A_43 : memref<64x128xf32, #tpu.memory_space<vmem>>) offsets(%dma_start3A_46 : memref<64xi32, #tpu.memory_space<vmem>>) semaphore(%arg11 : memref<!tpu.dma_semaphore, #tpu.memory_space<semaphore_mem>>)
        } else {
        }
      } else {
      }
      %lt3A_20 = arith.constant 3 : i32
      %lt3A_21 = arith.cmpi slt, %scan3A_11, %lt3A_20 : i32
      %convert_element_type3A_22 = arith.extui %lt3A_21 : i1 to i32
      %cond3A_23 = arith.constant 0 : i32
      %cond3A_24 = arith.cmpi ne, %convert_element_type3A_22, %cond3A_23 : i32
      scf.if %cond3A_24 {
        %rem3A = arith.constant 3 : i32
        %rem3A_25 = arith.remsi %scan3A_11, %rem3A : i32
        %dma_start3A = arith.constant 0 : i32
        %dma_start3A_26 = arith.constant 0 : i32
        %dma_start3A_27 = tpu.memref_slice %arg9[%rem3A_25, %dma_start3A, %dma_start3A_26] : memref<3x64x128xf32, #tpu.memory_space<vmem>> -> memref<1x64x128xf32, #tpu.memory_space<vmem>>
        %dma_start3A_28 = tpu.memref_squeeze %dma_start3A_27 : memref<1x64x128xf32, #tpu.memory_space<vmem>> -> memref<64x128xf32, #tpu.memory_space<vmem>>
        %dma_start3A_29 = arith.constant 0 : i32
        %dma_start3A_30 = tpu.memref_slice %arg7[%scan3A_11, %dma_start3A_29] : memref<160x64xi32, #tpu.memory_space<vmem>> -> memref<1x64xi32, #tpu.memory_space<vmem>>
        %dma_start3A_31 = tpu.memref_squeeze %dma_start3A_30 : memref<1x64xi32, #tpu.memory_space<vmem>> -> memref<64xi32, #tpu.memory_space<vmem>>
        %dma_start3A_32 = arith.constant 0 : i32
        %dma_start3A_33 = arith.constant 0 : i32
        %dma_start3A_34 = tpu.memref_slice %arg2[%dma_start3A_32, %dma_start3A_33] : memref<10240x128xf32, #tpu.memory_space<hbm>> -> memref<10240x128xf32, #tpu.memory_space<hbm>>
        tpu.enqueue_indirect_dma source(%dma_start3A_34 : memref<10240x128xf32, #tpu.memory_space<hbm>>) target(%dma_start3A_28 : memref<64x128xf32, #tpu.memory_space<vmem>>) offsets(%dma_start3A_31 : memref<64xi32, #tpu.memory_space<vmem>>) semaphore(%arg11 : memref<!tpu.dma_semaphore, #tpu.memory_space<semaphore_mem>>)
      } else {
      }
    }
    %scan3A_7 = arith.constant 163 : i32
    %barrier3A_8 = arith.constant 0 : index
    tpu.barrier barrier_id(%barrier3A_8)
    %mul3A_9 = arith.constant 640 : i32
    %mul3A_10 = arith.muli %arg1, %mul3A_9 : i32
    "tpu.region"() ({
      %run_scoped3A = tpu.sem_alloc : memref<!tpu.dma_semaphore, #tpu.memory_space<semaphore_mem>>
      %dma_start3A = arith.constant 0 : i32
      %dma_start3A_11 = tpu.memref_slice %arg6[%arg0, %mul3A_10, %dma_start3A] : memref<2x10240x128xf32, #tpu.memory_space<hbm>> -> memref<1x640x128xf32, #tpu.memory_space<hbm>>
      %dma_start3A_12 = tpu.memref_squeeze %dma_start3A_11 : memref<1x640x128xf32, #tpu.memory_space<hbm>> -> memref<640x128xf32, #tpu.memory_space<hbm>>
      %dma_start3A_13 = arith.constant 0 : i32
      %dma_start3A_14 = tpu.memref_slice %arg10[%mul3A_10, %dma_start3A_13] : memref<10240x128xf32, #tpu.memory_space<vmem_shared>> -> memref<640x128xf32, #tpu.memory_space<vmem_shared>>
      tpu.enqueue_dma source(%dma_start3A_14 : memref<640x128xf32, #tpu.memory_space<vmem_shared>>) target(%dma_start3A_12 : memref<640x128xf32, #tpu.memory_space<hbm>>) target_semaphore(%run_scoped3A : memref<!tpu.dma_semaphore, #tpu.memory_space<semaphore_mem>>)
      %dma_wait3A = arith.constant 0 : i32
      %dma_wait3A_15 = tpu.memref_slice %arg6[%arg0, %mul3A_10, %dma_wait3A] : memref<2x10240x128xf32, #tpu.memory_space<hbm>> -> memref<1x640x128xf32, #tpu.memory_space<hbm>>
      %dma_wait3A_16 = tpu.memref_squeeze %dma_wait3A_15 : memref<1x640x128xf32, #tpu.memory_space<hbm>> -> memref<640x128xf32, #tpu.memory_space<hbm>>
      %dma_wait3A_17 = arith.constant 0 : i32
      %dma_wait3A_18 = tpu.memref_slice %arg10[%mul3A_10, %dma_wait3A_17] : memref<10240x128xf32, #tpu.memory_space<vmem_shared>> -> memref<640x128xf32, #tpu.memory_space<vmem_shared>>
      tpu.wait_dma2 semaphore(%run_scoped3A : memref<!tpu.dma_semaphore, #tpu.memory_space<semaphore_mem>>) src(%dma_wait3A_18 : memref<640x128xf32, #tpu.memory_space<vmem_shared>>) dst(%dma_wait3A_16 : memref<640x128xf32, #tpu.memory_space<hbm>>)
      tpu.yield
    }) : () -> ()
    return
  }
}

#map = affine_map<(d0, d1) -> (0, 0, 0)>
#map1 = affine_map<(d0, d1) -> (0, 0)>
module attributes {stable_mosaic.version = 14 : i64} {
  func.func @_hist_body(%arg0: i32, %arg1: i32, %arg2: memref<32x80x128xi32, #tpu.memory_space<hbm>>, %arg3: memref<128x128xf32, #tpu.memory_space<hbm>>, %arg4: memref<640x128xf32, #tpu.memory_space<hbm>>, %arg5: memref<2x10240x128xf32, #tpu.memory_space<hbm>>, %arg6: memref<80x128xi32, #tpu.memory_space<vmem>>, %arg7: memref<128x128xf32, #tpu.memory_space<vmem>>, %arg8: memref<10240x128xf32, #tpu.memory_space<vmem_shared>>) attributes {dimension_semantics = [#tpu.dimension_semantics<core_parallel>, #tpu.dimension_semantics<subcore_parallel>], iteration_bounds = array<i64: 2, 16>, scalar_prefetch = 0 : i64, scratch_operands = 3 : i64, tpu.core_type = #tpu.core_type<sc_vector_subcore>, window_params = [{transform_indices = #map}, {transform_indices = #map1}, {transform_indices = #map1}, {transform_indices = #map}]} {
    %mul3A = arith.constant 16 : i32
    %mul3A_0 = arith.muli %arg0, %mul3A : i32
    %add3A = arith.addi %mul3A_0, %arg1 : i32
    %mul3A_1 = arith.constant 640 : i32
    %mul3A_2 = arith.muli %arg1, %mul3A_1 : i32
    "tpu.region"() ({
      %run_scoped3A = tpu.sem_alloc : memref<!tpu.dma_semaphore, #tpu.memory_space<semaphore_mem>>
      %dma_start3A = arith.constant 0 : i32
      %dma_start3A_11 = tpu.memref_slice %arg8[%mul3A_2, %dma_start3A] : memref<10240x128xf32, #tpu.memory_space<vmem_shared>> -> memref<640x128xf32, #tpu.memory_space<vmem_shared>>
      tpu.enqueue_dma source(%arg4 : memref<640x128xf32, #tpu.memory_space<hbm>>) target(%dma_start3A_11 : memref<640x128xf32, #tpu.memory_space<vmem_shared>>) target_semaphore(%run_scoped3A : memref<!tpu.dma_semaphore, #tpu.memory_space<semaphore_mem>>)
      %dma_wait3A = arith.constant 0 : i32
      %dma_wait3A_12 = tpu.memref_slice %arg8[%mul3A_2, %dma_wait3A] : memref<10240x128xf32, #tpu.memory_space<vmem_shared>> -> memref<640x128xf32, #tpu.memory_space<vmem_shared>>
      tpu.wait_dma2 semaphore(%run_scoped3A : memref<!tpu.dma_semaphore, #tpu.memory_space<semaphore_mem>>) src(%arg4 : memref<640x128xf32, #tpu.memory_space<hbm>>) dst(%dma_wait3A_12 : memref<640x128xf32, #tpu.memory_space<vmem_shared>>)
      tpu.yield
    }) : () -> ()
    "tpu.region"() ({
      %run_scoped3A = tpu.sem_alloc : memref<!tpu.dma_semaphore, #tpu.memory_space<semaphore_mem>>
      tpu.enqueue_dma source(%arg3 : memref<128x128xf32, #tpu.memory_space<hbm>>) target(%arg7 : memref<128x128xf32, #tpu.memory_space<vmem>>) target_semaphore(%run_scoped3A : memref<!tpu.dma_semaphore, #tpu.memory_space<semaphore_mem>>)
      tpu.wait_dma2 semaphore(%run_scoped3A : memref<!tpu.dma_semaphore, #tpu.memory_space<semaphore_mem>>) src(%arg3 : memref<128x128xf32, #tpu.memory_space<hbm>>) dst(%arg7 : memref<128x128xf32, #tpu.memory_space<vmem>>)
      tpu.yield
    }) : () -> ()
    "tpu.region"() ({
      %run_scoped3A = tpu.sem_alloc : memref<!tpu.dma_semaphore, #tpu.memory_space<semaphore_mem>>
      %dma_start3A = arith.constant 0 : i32
      %dma_start3A_11 = arith.constant 0 : i32
      %dma_start3A_12 = tpu.memref_slice %arg2[%add3A, %dma_start3A, %dma_start3A_11] : memref<32x80x128xi32, #tpu.memory_space<hbm>> -> memref<1x80x128xi32, #tpu.memory_space<hbm>>
      %dma_start3A_13 = tpu.memref_squeeze %dma_start3A_12 : memref<1x80x128xi32, #tpu.memory_space<hbm>> -> memref<80x128xi32, #tpu.memory_space<hbm>>
      %dma_start3A_14 = arith.constant 0 : i32
      %dma_start3A_15 = arith.constant 0 : i32
      %dma_start3A_16 = tpu.memref_slice %arg2[%add3A, %dma_start3A_14, %dma_start3A_15] : memref<32x80x128xi32, #tpu.memory_space<hbm>> -> memref<1x80x128xi32, #tpu.memory_space<hbm>>
      %dma_start3A_17 = tpu.memref_squeeze %dma_start3A_16 : memref<1x80x128xi32, #tpu.memory_space<hbm>> -> memref<80x128xi32, #tpu.memory_space<hbm>>
      tpu.enqueue_dma source(%dma_start3A_17 : memref<80x128xi32, #tpu.memory_space<hbm>>) target(%arg6 : memref<80x128xi32, #tpu.memory_space<vmem>>) target_semaphore(%run_scoped3A : memref<!tpu.dma_semaphore, #tpu.memory_space<semaphore_mem>>)
      %dma_wait3A = arith.constant 0 : i32
      %dma_wait3A_18 = arith.constant 0 : i32
      %dma_wait3A_19 = tpu.memref_slice %arg2[%add3A, %dma_wait3A, %dma_wait3A_18] : memref<32x80x128xi32, #tpu.memory_space<hbm>> -> memref<1x80x128xi32, #tpu.memory_space<hbm>>
      %dma_wait3A_20 = tpu.memref_squeeze %dma_wait3A_19 : memref<1x80x128xi32, #tpu.memory_space<hbm>> -> memref<80x128xi32, #tpu.memory_space<hbm>>
      %dma_wait3A_21 = arith.constant 0 : i32
      %dma_wait3A_22 = arith.constant 0 : i32
      %dma_wait3A_23 = tpu.memref_slice %arg2[%add3A, %dma_wait3A_21, %dma_wait3A_22] : memref<32x80x128xi32, #tpu.memory_space<hbm>> -> memref<1x80x128xi32, #tpu.memory_space<hbm>>
      %dma_wait3A_24 = tpu.memref_squeeze %dma_wait3A_23 : memref<1x80x128xi32, #tpu.memory_space<hbm>> -> memref<80x128xi32, #tpu.memory_space<hbm>>
      tpu.wait_dma2 semaphore(%run_scoped3A : memref<!tpu.dma_semaphore, #tpu.memory_space<semaphore_mem>>) src(%dma_wait3A_24 : memref<80x128xi32, #tpu.memory_space<hbm>>) dst(%arg6 : memref<80x128xi32, #tpu.memory_space<vmem>>)
      tpu.yield
    }) : () -> ()
    %barrier3A = arith.constant 0 : index
    tpu.barrier barrier_id(%barrier3A)
    %scan3A = arith.constant 0 : i32
    %scan3A_3 = arith.constant 0 : i32
    %scan3A_4 = arith.constant 80 : i32
    %scan3A_5 = arith.addi %scan3A_3, %scan3A_4 : i32
    %scan3A_6 = arith.constant 1 : i32
    scf.for %scan3A_11 = %scan3A_3 to %scan3A_5 step %scan3A_6  : i32 {
      "tpu.region"() ({
        %run_scoped3A = tpu.sem_alloc : memref<!tpu.dma_semaphore, #tpu.memory_space<semaphore_mem>>
        %dma_start3A = arith.constant 0 : i32
        %dma_start3A_12 = tpu.memref_slice %arg6[%scan3A_11, %dma_start3A] : memref<80x128xi32, #tpu.memory_space<vmem>> -> memref<1x128xi32, #tpu.memory_space<vmem>>
        %dma_start3A_13 = tpu.memref_squeeze %dma_start3A_12 : memref<1x128xi32, #tpu.memory_space<vmem>> -> memref<128xi32, #tpu.memory_space<vmem>>
        %dma_start3A_14 = arith.constant 0 : i32
        %dma_start3A_15 = arith.constant 0 : i32
        %dma_start3A_16 = tpu.memref_slice %arg8[%dma_start3A_14, %dma_start3A_15] : memref<10240x128xf32, #tpu.memory_space<vmem_shared>> -> memref<10240x128xf32, #tpu.memory_space<vmem_shared>>
        tpu.enqueue_indirect_dma source(%arg7 : memref<128x128xf32, #tpu.memory_space<vmem>>) target(%dma_start3A_16 : memref<10240x128xf32, #tpu.memory_space<vmem_shared>>) offsets(%dma_start3A_13 : memref<128xi32, #tpu.memory_space<vmem>>) semaphore(%run_scoped3A : memref<!tpu.dma_semaphore, #tpu.memory_space<semaphore_mem>>) {add = true}
        %dma_wait3A = arith.constant 0 : i32
        %dma_wait3A_17 = tpu.memref_slice %arg6[%scan3A_11, %dma_wait3A] : memref<80x128xi32, #tpu.memory_space<vmem>> -> memref<1x128xi32, #tpu.memory_space<vmem>>
        %dma_wait3A_18 = tpu.memref_squeeze %dma_wait3A_17 : memref<1x128xi32, #tpu.memory_space<vmem>> -> memref<128xi32, #tpu.memory_space<vmem>>
        %dma_wait3A_19 = arith.constant 0 : i32
        %dma_wait3A_20 = arith.constant 0 : i32
        %dma_wait3A_21 = tpu.memref_slice %arg8[%dma_wait3A_19, %dma_wait3A_20] : memref<10240x128xf32, #tpu.memory_space<vmem_shared>> -> memref<10240x128xf32, #tpu.memory_space<vmem_shared>>
        tpu.wait_indirect_dma semaphore(%run_scoped3A : memref<!tpu.dma_semaphore, #tpu.memory_space<semaphore_mem>>) src(%arg7 : memref<128x128xf32, #tpu.memory_space<vmem>>) dst(%dma_wait3A_21 : memref<10240x128xf32, #tpu.memory_space<vmem_shared>>)
        tpu.yield
      }) : () -> ()
    }
    %scan3A_7 = arith.constant 80 : i32
    %barrier3A_8 = arith.constant 0 : index
    tpu.barrier barrier_id(%barrier3A_8)
    %mul3A_9 = arith.constant 640 : i32
    %mul3A_10 = arith.muli %arg1, %mul3A_9 : i32
    "tpu.region"() ({
      %run_scoped3A = tpu.sem_alloc : memref<!tpu.dma_semaphore, #tpu.memory_space<semaphore_mem>>
      %dma_start3A = arith.constant 0 : i32
      %dma_start3A_11 = tpu.memref_slice %arg5[%arg0, %mul3A_10, %dma_start3A] : memref<2x10240x128xf32, #tpu.memory_space<hbm>> -> memref<1x640x128xf32, #tpu.memory_space<hbm>>
      %dma_start3A_12 = tpu.memref_squeeze %dma_start3A_11 : memref<1x640x128xf32, #tpu.memory_space<hbm>> -> memref<640x128xf32, #tpu.memory_space<hbm>>
      %dma_start3A_13 = arith.constant 0 : i32
      %dma_start3A_14 = tpu.memref_slice %arg8[%mul3A_10, %dma_start3A_13] : memref<10240x128xf32, #tpu.memory_space<vmem_shared>> -> memref<640x128xf32, #tpu.memory_space<vmem_shared>>
      tpu.enqueue_dma source(%dma_start3A_14 : memref<640x128xf32, #tpu.memory_space<vmem_shared>>) target(%dma_start3A_12 : memref<640x128xf32, #tpu.memory_space<hbm>>) target_semaphore(%run_scoped3A : memref<!tpu.dma_semaphore, #tpu.memory_space<semaphore_mem>>)
      %dma_wait3A = arith.constant 0 : i32
      %dma_wait3A_15 = tpu.memref_slice %arg5[%arg0, %mul3A_10, %dma_wait3A] : memref<2x10240x128xf32, #tpu.memory_space<hbm>> -> memref<1x640x128xf32, #tpu.memory_space<hbm>>
      %dma_wait3A_16 = tpu.memref_squeeze %dma_wait3A_15 : memref<1x640x128xf32, #tpu.memory_space<hbm>> -> memref<640x128xf32, #tpu.memory_space<hbm>>
      %dma_wait3A_17 = arith.constant 0 : i32
      %dma_wait3A_18 = tpu.memref_slice %arg8[%mul3A_10, %dma_wait3A_17] : memref<10240x128xf32, #tpu.memory_space<vmem_shared>> -> memref<640x128xf32, #tpu.memory_space<vmem_shared>>
      tpu.wait_dma2 semaphore(%run_scoped3A : memref<!tpu.dma_semaphore, #tpu.memory_space<semaphore_mem>>) src(%dma_wait3A_18 : memref<640x128xf32, #tpu.memory_space<vmem_shared>>) dst(%dma_wait3A_16 : memref<640x128xf32, #tpu.memory_space<hbm>>)
      tpu.yield
    }) : () -> ()
    return
  }
}

#map = affine_map<(d0, d1) -> (0, 0)>
#map1 = affine_map<(d0, d1) -> (0, 0, 0)>
module attributes {stable_mosaic.version = 14 : i64} {
  func.func @_agg_body(%arg0: i32, %arg1: i32, %arg2: memref<10240x128xf32, #tpu.memory_space<hbm>>, %arg3: memref<32x160x64xi32, #tpu.memory_space<hbm>>, %arg4: memref<32x160x64xi32, #tpu.memory_space<hbm>>, %arg5: memref<640x128xf32, #tpu.memory_space<hbm>>, %arg6: memref<2x10240x128xf32, #tpu.memory_space<hbm>>, %arg7: memref<160x64xi32, #tpu.memory_space<vmem>>, %arg8: memref<160x64xi32, #tpu.memory_space<vmem>>, %arg9: memref<3x64x128xf32, #tpu.memory_space<vmem>>, %arg10: memref<10240x128xf32, #tpu.memory_space<vmem_shared>>, %arg11: memref<!tpu.dma_semaphore, #tpu.memory_space<semaphore_mem>>, %arg12: memref<!tpu.dma_semaphore, #tpu.memory_space<semaphore_mem>>) attributes {dimension_semantics = [#tpu.dimension_semantics<core_parallel>, #tpu.dimension_semantics<subcore_parallel>], iteration_bounds = array<i64: 2, 16>, scalar_prefetch = 0 : i64, scratch_operands = 6 : i64, tpu.core_type = #tpu.core_type<sc_vector_subcore>, window_params = [{transform_indices = #map}, {transform_indices = #map1}, {transform_indices = #map1}, {transform_indices = #map}, {transform_indices = #map1}]} {
    %mul3A = arith.constant 16 : i32
    %mul3A_0 = arith.muli %arg0, %mul3A : i32
    %add3A = arith.addi %mul3A_0, %arg1 : i32
    %mul3A_1 = arith.constant 640 : i32
    %mul3A_2 = arith.muli %arg1, %mul3A_1 : i32
    "tpu.region"() ({
      %run_scoped3A = tpu.sem_alloc : memref<!tpu.dma_semaphore, #tpu.memory_space<semaphore_mem>>
      %dma_start3A = arith.constant 0 : i32
      %dma_start3A_11 = tpu.memref_slice %arg10[%mul3A_2, %dma_start3A] : memref<10240x128xf32, #tpu.memory_space<vmem_shared>> -> memref<640x128xf32, #tpu.memory_space<vmem_shared>>
      tpu.enqueue_dma source(%arg5 : memref<640x128xf32, #tpu.memory_space<hbm>>) target(%dma_start3A_11 : memref<640x128xf32, #tpu.memory_space<vmem_shared>>) target_semaphore(%run_scoped3A : memref<!tpu.dma_semaphore, #tpu.memory_space<semaphore_mem>>)
      %dma_wait3A = arith.constant 0 : i32
      %dma_wait3A_12 = tpu.memref_slice %arg10[%mul3A_2, %dma_wait3A] : memref<10240x128xf32, #tpu.memory_space<vmem_shared>> -> memref<640x128xf32, #tpu.memory_space<vmem_shared>>
      tpu.wait_dma2 semaphore(%run_scoped3A : memref<!tpu.dma_semaphore, #tpu.memory_space<semaphore_mem>>) src(%arg5 : memref<640x128xf32, #tpu.memory_space<hbm>>) dst(%dma_wait3A_12 : memref<640x128xf32, #tpu.memory_space<vmem_shared>>)
      tpu.yield
    }) : () -> ()
    "tpu.region"() ({
      %run_scoped3A = tpu.sem_alloc : memref<!tpu.dma_semaphore, #tpu.memory_space<semaphore_mem>>
      %dma_start3A = arith.constant 0 : i32
      %dma_start3A_11 = arith.constant 0 : i32
      %dma_start3A_12 = tpu.memref_slice %arg3[%add3A, %dma_start3A, %dma_start3A_11] : memref<32x160x64xi32, #tpu.memory_space<hbm>> -> memref<1x160x64xi32, #tpu.memory_space<hbm>>
      %dma_start3A_13 = tpu.memref_squeeze %dma_start3A_12 : memref<1x160x64xi32, #tpu.memory_space<hbm>> -> memref<160x64xi32, #tpu.memory_space<hbm>>
      %dma_start3A_14 = arith.constant 0 : i32
      %dma_start3A_15 = arith.constant 0 : i32
      %dma_start3A_16 = tpu.memref_slice %arg3[%add3A, %dma_start3A_14, %dma_start3A_15] : memref<32x160x64xi32, #tpu.memory_space<hbm>> -> memref<1x160x64xi32, #tpu.memory_space<hbm>>
      %dma_start3A_17 = tpu.memref_squeeze %dma_start3A_16 : memref<1x160x64xi32, #tpu.memory_space<hbm>> -> memref<160x64xi32, #tpu.memory_space<hbm>>
      tpu.enqueue_dma source(%dma_start3A_17 : memref<160x64xi32, #tpu.memory_space<hbm>>) target(%arg7 : memref<160x64xi32, #tpu.memory_space<vmem>>) target_semaphore(%run_scoped3A : memref<!tpu.dma_semaphore, #tpu.memory_space<semaphore_mem>>)
      %dma_wait3A = arith.constant 0 : i32
      %dma_wait3A_18 = arith.constant 0 : i32
      %dma_wait3A_19 = tpu.memref_slice %arg3[%add3A, %dma_wait3A, %dma_wait3A_18] : memref<32x160x64xi32, #tpu.memory_space<hbm>> -> memref<1x160x64xi32, #tpu.memory_space<hbm>>
      %dma_wait3A_20 = tpu.memref_squeeze %dma_wait3A_19 : memref<1x160x64xi32, #tpu.memory_space<hbm>> -> memref<160x64xi32, #tpu.memory_space<hbm>>
      %dma_wait3A_21 = arith.constant 0 : i32
      %dma_wait3A_22 = arith.constant 0 : i32
      %dma_wait3A_23 = tpu.memref_slice %arg3[%add3A, %dma_wait3A_21, %dma_wait3A_22] : memref<32x160x64xi32, #tpu.memory_space<hbm>> -> memref<1x160x64xi32, #tpu.memory_space<hbm>>
      %dma_wait3A_24 = tpu.memref_squeeze %dma_wait3A_23 : memref<1x160x64xi32, #tpu.memory_space<hbm>> -> memref<160x64xi32, #tpu.memory_space<hbm>>
      tpu.wait_dma2 semaphore(%run_scoped3A : memref<!tpu.dma_semaphore, #tpu.memory_space<semaphore_mem>>) src(%dma_wait3A_24 : memref<160x64xi32, #tpu.memory_space<hbm>>) dst(%arg7 : memref<160x64xi32, #tpu.memory_space<vmem>>)
      tpu.yield
    }) : () -> ()
    "tpu.region"() ({
      %run_scoped3A = tpu.sem_alloc : memref<!tpu.dma_semaphore, #tpu.memory_space<semaphore_mem>>
      %dma_start3A = arith.constant 0 : i32
      %dma_start3A_11 = arith.constant 0 : i32
      %dma_start3A_12 = tpu.memref_slice %arg4[%add3A, %dma_start3A, %dma_start3A_11] : memref<32x160x64xi32, #tpu.memory_space<hbm>> -> memref<1x160x64xi32, #tpu.memory_space<hbm>>
      %dma_start3A_13 = tpu.memref_squeeze %dma_start3A_12 : memref<1x160x64xi32, #tpu.memory_space<hbm>> -> memref<160x64xi32, #tpu.memory_space<hbm>>
      %dma_start3A_14 = arith.constant 0 : i32
      %dma_start3A_15 = arith.constant 0 : i32
      %dma_start3A_16 = tpu.memref_slice %arg4[%add3A, %dma_start3A_14, %dma_start3A_15] : memref<32x160x64xi32, #tpu.memory_space<hbm>> -> memref<1x160x64xi32, #tpu.memory_space<hbm>>
      %dma_start3A_17 = tpu.memref_squeeze %dma_start3A_16 : memref<1x160x64xi32, #tpu.memory_space<hbm>> -> memref<160x64xi32, #tpu.memory_space<hbm>>
      tpu.enqueue_dma source(%dma_start3A_17 : memref<160x64xi32, #tpu.memory_space<hbm>>) target(%arg8 : memref<160x64xi32, #tpu.memory_space<vmem>>) target_semaphore(%run_scoped3A : memref<!tpu.dma_semaphore, #tpu.memory_space<semaphore_mem>>)
      %dma_wait3A = arith.constant 0 : i32
      %dma_wait3A_18 = arith.constant 0 : i32
      %dma_wait3A_19 = tpu.memref_slice %arg4[%add3A, %dma_wait3A, %dma_wait3A_18] : memref<32x160x64xi32, #tpu.memory_space<hbm>> -> memref<1x160x64xi32, #tpu.memory_space<hbm>>
      %dma_wait3A_20 = tpu.memref_squeeze %dma_wait3A_19 : memref<1x160x64xi32, #tpu.memory_space<hbm>> -> memref<160x64xi32, #tpu.memory_space<hbm>>
      %dma_wait3A_21 = arith.constant 0 : i32
      %dma_wait3A_22 = arith.constant 0 : i32
      %dma_wait3A_23 = tpu.memref_slice %arg4[%add3A, %dma_wait3A_21, %dma_wait3A_22] : memref<32x160x64xi32, #tpu.memory_space<hbm>> -> memref<1x160x64xi32, #tpu.memory_space<hbm>>
      %dma_wait3A_24 = tpu.memref_squeeze %dma_wait3A_23 : memref<1x160x64xi32, #tpu.memory_space<hbm>> -> memref<160x64xi32, #tpu.memory_space<hbm>>
      tpu.wait_dma2 semaphore(%run_scoped3A : memref<!tpu.dma_semaphore, #tpu.memory_space<semaphore_mem>>) src(%dma_wait3A_24 : memref<160x64xi32, #tpu.memory_space<hbm>>) dst(%arg8 : memref<160x64xi32, #tpu.memory_space<vmem>>)
      tpu.yield
    }) : () -> ()
    %barrier3A = arith.constant 0 : index
    tpu.barrier barrier_id(%barrier3A)
    %scan3A = arith.constant 0 : i32
    %scan3A_3 = arith.constant 0 : i32
    %scan3A_4 = arith.constant 163 : i32
    %scan3A_5 = arith.addi %scan3A_3, %scan3A_4 : i32
    %scan3A_6 = arith.constant 1 : i32
    scf.for %scan3A_11 = %scan3A_3 to %scan3A_5 step %scan3A_6  : i32 {
      %ge3A = arith.constant 2 : i32
      %ge3A_12 = arith.cmpi sge, %scan3A_11, %ge3A : i32
      %lt3A = arith.constant 162 : i32
      %lt3A_13 = arith.cmpi slt, %scan3A_11, %lt3A : i32
      %and3A = arith.andi %ge3A_12, %lt3A_13 : i1
      %convert_element_type3A = arith.extui %and3A : i1 to i32
      %cond3A = arith.constant 0 : i32
      %cond3A_14 = arith.cmpi ne, %convert_element_type3A, %cond3A : i32
      scf.if %cond3A_14 {
        %sub3A = arith.constant 2 : i32
        %sub3A_25 = arith.subi %scan3A_11, %sub3A : i32
        %rem3A = arith.constant 3 : i32
        %rem3A_26 = arith.remsi %sub3A_25, %rem3A : i32
        %dma_wait3A = arith.constant 0 : i32
        %dma_wait3A_27 = arith.constant 0 : i32
        %dma_wait3A_28 = tpu.memref_slice %arg9[%rem3A_26, %dma_wait3A, %dma_wait3A_27] : memref<3x64x128xf32, #tpu.memory_space<vmem>> -> memref<1x64x128xf32, #tpu.memory_space<vmem>>
        %dma_wait3A_29 = tpu.memref_squeeze %dma_wait3A_28 : memref<1x64x128xf32, #tpu.memory_space<vmem>> -> memref<64x128xf32, #tpu.memory_space<vmem>>
        %dma_wait3A_30 = arith.constant 0 : i32
        %dma_wait3A_31 = tpu.memref_slice %arg7[%sub3A_25, %dma_wait3A_30] : memref<160x64xi32, #tpu.memory_space<vmem>> -> memref<1x64xi32, #tpu.memory_space<vmem>>
        %dma_wait3A_32 = tpu.memref_squeeze %dma_wait3A_31 : memref<1x64xi32, #tpu.memory_space<vmem>> -> memref<64xi32, #tpu.memory_space<vmem>>
        %dma_wait3A_33 = arith.constant 0 : i32
        %dma_wait3A_34 = arith.constant 0 : i32
        %dma_wait3A_35 = tpu.memref_slice %arg2[%dma_wait3A_33, %dma_wait3A_34] : memref<10240x128xf32, #tpu.memory_space<hbm>> -> memref<10240x128xf32, #tpu.memory_space<hbm>>
        tpu.wait_indirect_dma semaphore(%arg11 : memref<!tpu.dma_semaphore, #tpu.memory_space<semaphore_mem>>) src(%dma_wait3A_35 : memref<10240x128xf32, #tpu.memory_space<hbm>>) dst(%dma_wait3A_29 : memref<64x128xf32, #tpu.memory_space<vmem>>)
        %dma_start3A = arith.constant 0 : i32
        %dma_start3A_36 = arith.constant 0 : i32
        %dma_start3A_37 = tpu.memref_slice %arg9[%rem3A_26, %dma_start3A, %dma_start3A_36] : memref<3x64x128xf32, #tpu.memory_space<vmem>> -> memref<1x64x128xf32, #tpu.memory_space<vmem>>
        %dma_start3A_38 = tpu.memref_squeeze %dma_start3A_37 : memref<1x64x128xf32, #tpu.memory_space<vmem>> -> memref<64x128xf32, #tpu.memory_space<vmem>>
        %dma_start3A_39 = arith.constant 0 : i32
        %dma_start3A_40 = tpu.memref_slice %arg8[%sub3A_25, %dma_start3A_39] : memref<160x64xi32, #tpu.memory_space<vmem>> -> memref<1x64xi32, #tpu.memory_space<vmem>>
        %dma_start3A_41 = tpu.memref_squeeze %dma_start3A_40 : memref<1x64xi32, #tpu.memory_space<vmem>> -> memref<64xi32, #tpu.memory_space<vmem>>
        %dma_start3A_42 = arith.constant 0 : i32
        %dma_start3A_43 = arith.constant 0 : i32
        %dma_start3A_44 = tpu.memref_slice %arg10[%dma_start3A_42, %dma_start3A_43] : memref<10240x128xf32, #tpu.memory_space<vmem_shared>> -> memref<10240x128xf32, #tpu.memory_space<vmem_shared>>
        tpu.enqueue_indirect_dma source(%dma_start3A_38 : memref<64x128xf32, #tpu.memory_space<vmem>>) target(%dma_start3A_44 : memref<10240x128xf32, #tpu.memory_space<vmem_shared>>) offsets(%dma_start3A_41 : memref<64xi32, #tpu.memory_space<vmem>>) semaphore(%arg12 : memref<!tpu.dma_semaphore, #tpu.memory_space<semaphore_mem>>) {add = true}
      } else {
      }
      %ge3A_15 = arith.constant 3 : i32
      %ge3A_16 = arith.cmpi sge, %scan3A_11, %ge3A_15 : i32
      %convert_element_type3A_17 = arith.extui %ge3A_16 : i1 to i32
      %cond3A_18 = arith.constant 0 : i32
      %cond3A_19 = arith.cmpi ne, %convert_element_type3A_17, %cond3A_18 : i32
      scf.if %cond3A_19 {
        %sub3A = arith.constant 3 : i32
        %sub3A_25 = arith.subi %scan3A_11, %sub3A : i32
        %rem3A = arith.constant 3 : i32
        %rem3A_26 = arith.remsi %sub3A_25, %rem3A : i32
        %dma_wait3A = arith.constant 0 : i32
        %dma_wait3A_27 = arith.constant 0 : i32
        %dma_wait3A_28 = tpu.memref_slice %arg9[%rem3A_26, %dma_wait3A, %dma_wait3A_27] : memref<3x64x128xf32, #tpu.memory_space<vmem>> -> memref<1x64x128xf32, #tpu.memory_space<vmem>>
        %dma_wait3A_29 = tpu.memref_squeeze %dma_wait3A_28 : memref<1x64x128xf32, #tpu.memory_space<vmem>> -> memref<64x128xf32, #tpu.memory_space<vmem>>
        %dma_wait3A_30 = arith.constant 0 : i32
        %dma_wait3A_31 = tpu.memref_slice %arg8[%sub3A_25, %dma_wait3A_30] : memref<160x64xi32, #tpu.memory_space<vmem>> -> memref<1x64xi32, #tpu.memory_space<vmem>>
        %dma_wait3A_32 = tpu.memref_squeeze %dma_wait3A_31 : memref<1x64xi32, #tpu.memory_space<vmem>> -> memref<64xi32, #tpu.memory_space<vmem>>
        %dma_wait3A_33 = arith.constant 0 : i32
        %dma_wait3A_34 = arith.constant 0 : i32
        %dma_wait3A_35 = tpu.memref_slice %arg10[%dma_wait3A_33, %dma_wait3A_34] : memref<10240x128xf32, #tpu.memory_space<vmem_shared>> -> memref<10240x128xf32, #tpu.memory_space<vmem_shared>>
        tpu.wait_indirect_dma semaphore(%arg12 : memref<!tpu.dma_semaphore, #tpu.memory_space<semaphore_mem>>) src(%dma_wait3A_29 : memref<64x128xf32, #tpu.memory_space<vmem>>) dst(%dma_wait3A_35 : memref<10240x128xf32, #tpu.memory_space<vmem_shared>>)
        %lt3A_36 = arith.constant 160 : i32
        %lt3A_37 = arith.cmpi slt, %scan3A_11, %lt3A_36 : i32
        %convert_element_type3A_38 = arith.extui %lt3A_37 : i1 to i32
        %cond3A_39 = arith.constant 0 : i32
        %cond3A_40 = arith.cmpi ne, %convert_element_type3A_38, %cond3A_39 : i32
        scf.if %cond3A_40 {
          %dma_start3A = arith.constant 0 : i32
          %dma_start3A_41 = arith.constant 0 : i32
          %dma_start3A_42 = tpu.memref_slice %arg9[%rem3A_26, %dma_start3A, %dma_start3A_41] : memref<3x64x128xf32, #tpu.memory_space<vmem>> -> memref<1x64x128xf32, #tpu.memory_space<vmem>>
          %dma_start3A_43 = tpu.memref_squeeze %dma_start3A_42 : memref<1x64x128xf32, #tpu.memory_space<vmem>> -> memref<64x128xf32, #tpu.memory_space<vmem>>
          %dma_start3A_44 = arith.constant 0 : i32
          %dma_start3A_45 = tpu.memref_slice %arg7[%scan3A_11, %dma_start3A_44] : memref<160x64xi32, #tpu.memory_space<vmem>> -> memref<1x64xi32, #tpu.memory_space<vmem>>
          %dma_start3A_46 = tpu.memref_squeeze %dma_start3A_45 : memref<1x64xi32, #tpu.memory_space<vmem>> -> memref<64xi32, #tpu.memory_space<vmem>>
          %dma_start3A_47 = arith.constant 0 : i32
          %dma_start3A_48 = arith.constant 0 : i32
          %dma_start3A_49 = tpu.memref_slice %arg2[%dma_start3A_47, %dma_start3A_48] : memref<10240x128xf32, #tpu.memory_space<hbm>> -> memref<10240x128xf32, #tpu.memory_space<hbm>>
          tpu.enqueue_indirect_dma source(%dma_start3A_49 : memref<10240x128xf32, #tpu.memory_space<hbm>>) target(%dma_start3A_43 : memref<64x128xf32, #tpu.memory_space<vmem>>) offsets(%dma_start3A_46 : memref<64xi32, #tpu.memory_space<vmem>>) semaphore(%arg11 : memref<!tpu.dma_semaphore, #tpu.memory_space<semaphore_mem>>)
        } else {
        }
      } else {
      }
      %lt3A_20 = arith.constant 3 : i32
      %lt3A_21 = arith.cmpi slt, %scan3A_11, %lt3A_20 : i32
      %convert_element_type3A_22 = arith.extui %lt3A_21 : i1 to i32
      %cond3A_23 = arith.constant 0 : i32
      %cond3A_24 = arith.cmpi ne, %convert_element_type3A_22, %cond3A_23 : i32
      scf.if %cond3A_24 {
        %rem3A = arith.constant 3 : i32
        %rem3A_25 = arith.remsi %scan3A_11, %rem3A : i32
        %dma_start3A = arith.constant 0 : i32
        %dma_start3A_26 = arith.constant 0 : i32
        %dma_start3A_27 = tpu.memref_slice %arg9[%rem3A_25, %dma_start3A, %dma_start3A_26] : memref<3x64x128xf32, #tpu.memory_space<vmem>> -> memref<1x64x128xf32, #tpu.memory_space<vmem>>
        %dma_start3A_28 = tpu.memref_squeeze %dma_start3A_27 : memref<1x64x128xf32, #tpu.memory_space<vmem>> -> memref<64x128xf32, #tpu.memory_space<vmem>>
        %dma_start3A_29 = arith.constant 0 : i32
        %dma_start3A_30 = tpu.memref_slice %arg7[%scan3A_11, %dma_start3A_29] : memref<160x64xi32, #tpu.memory_space<vmem>> -> memref<1x64xi32, #tpu.memory_space<vmem>>
        %dma_start3A_31 = tpu.memref_squeeze %dma_start3A_30 : memref<1x64xi32, #tpu.memory_space<vmem>> -> memref<64xi32, #tpu.memory_space<vmem>>
        %dma_start3A_32 = arith.constant 0 : i32
        %dma_start3A_33 = arith.constant 0 : i32
        %dma_start3A_34 = tpu.memref_slice %arg2[%dma_start3A_32, %dma_start3A_33] : memref<10240x128xf32, #tpu.memory_space<hbm>> -> memref<10240x128xf32, #tpu.memory_space<hbm>>
        tpu.enqueue_indirect_dma source(%dma_start3A_34 : memref<10240x128xf32, #tpu.memory_space<hbm>>) target(%dma_start3A_28 : memref<64x128xf32, #tpu.memory_space<vmem>>) offsets(%dma_start3A_31 : memref<64xi32, #tpu.memory_space<vmem>>) semaphore(%arg11 : memref<!tpu.dma_semaphore, #tpu.memory_space<semaphore_mem>>)
      } else {
      }
    }
    %scan3A_7 = arith.constant 163 : i32
    %barrier3A_8 = arith.constant 0 : index
    tpu.barrier barrier_id(%barrier3A_8)
    %mul3A_9 = arith.constant 640 : i32
    %mul3A_10 = arith.muli %arg1, %mul3A_9 : i32
    "tpu.region"() ({
      %run_scoped3A = tpu.sem_alloc : memref<!tpu.dma_semaphore, #tpu.memory_space<semaphore_mem>>
      %dma_start3A = arith.constant 0 : i32
      %dma_start3A_11 = tpu.memref_slice %arg6[%arg0, %mul3A_10, %dma_start3A] : memref<2x10240x128xf32, #tpu.memory_space<hbm>> -> memref<1x640x128xf32, #tpu.memory_space<hbm>>
      %dma_start3A_12 = tpu.memref_squeeze %dma_start3A_11 : memref<1x640x128xf32, #tpu.memory_space<hbm>> -> memref<640x128xf32, #tpu.memory_space<hbm>>
      %dma_start3A_13 = arith.constant 0 : i32
      %dma_start3A_14 = tpu.memref_slice %arg10[%mul3A_10, %dma_start3A_13] : memref<10240x128xf32, #tpu.memory_space<vmem_shared>> -> memref<640x128xf32, #tpu.memory_space<vmem_shared>>
      tpu.enqueue_dma source(%dma_start3A_14 : memref<640x128xf32, #tpu.memory_space<vmem_shared>>) target(%dma_start3A_12 : memref<640x128xf32, #tpu.memory_space<hbm>>) target_semaphore(%run_scoped3A : memref<!tpu.dma_semaphore, #tpu.memory_space<semaphore_mem>>)
      %dma_wait3A = arith.constant 0 : i32
      %dma_wait3A_15 = tpu.memref_slice %arg6[%arg0, %mul3A_10, %dma_wait3A] : memref<2x10240x128xf32, #tpu.memory_space<hbm>> -> memref<1x640x128xf32, #tpu.memory_space<hbm>>
      %dma_wait3A_16 = tpu.memref_squeeze %dma_wait3A_15 : memref<1x640x128xf32, #tpu.memory_space<hbm>> -> memref<640x128xf32, #tpu.memory_space<hbm>>
      %dma_wait3A_17 = arith.constant 0 : i32
      %dma_wait3A_18 = tpu.memref_slice %arg10[%mul3A_10, %dma_wait3A_17] : memref<10240x128xf32, #tpu.memory_space<vmem_shared>> -> memref<640x128xf32, #tpu.memory_space<vmem_shared>>
      tpu.wait_dma2 semaphore(%run_scoped3A : memref<!tpu.dma_semaphore, #tpu.memory_space<semaphore_mem>>) src(%dma_wait3A_18 : memref<640x128xf32, #tpu.memory_space<vmem_shared>>) dst(%dma_wait3A_16 : memref<640x128xf32, #tpu.memory_space<hbm>>)
      tpu.yield
    }) : () -> ()
    return
  }
}

#map = affine_map<(d0, d1) -> (0, 0, 0)>
#map1 = affine_map<(d0, d1) -> (0, 0)>
module attributes {stable_mosaic.version = 14 : i64} {
  func.func @_hist_body(%arg0: i32, %arg1: i32, %arg2: memref<32x80x128xi32, #tpu.memory_space<hbm>>, %arg3: memref<128x128xf32, #tpu.memory_space<hbm>>, %arg4: memref<640x128xf32, #tpu.memory_space<hbm>>, %arg5: memref<2x10240x128xf32, #tpu.memory_space<hbm>>, %arg6: memref<80x128xi32, #tpu.memory_space<vmem>>, %arg7: memref<128x128xf32, #tpu.memory_space<vmem>>, %arg8: memref<10240x128xf32, #tpu.memory_space<vmem_shared>>) attributes {dimension_semantics = [#tpu.dimension_semantics<core_parallel>, #tpu.dimension_semantics<subcore_parallel>], iteration_bounds = array<i64: 2, 16>, scalar_prefetch = 0 : i64, scratch_operands = 3 : i64, tpu.core_type = #tpu.core_type<sc_vector_subcore>, window_params = [{transform_indices = #map}, {transform_indices = #map1}, {transform_indices = #map1}, {transform_indices = #map}]} {
    %mul3A = arith.constant 16 : i32
    %mul3A_0 = arith.muli %arg0, %mul3A : i32
    %add3A = arith.addi %mul3A_0, %arg1 : i32
    %mul3A_1 = arith.constant 640 : i32
    %mul3A_2 = arith.muli %arg1, %mul3A_1 : i32
    "tpu.region"() ({
      %run_scoped3A = tpu.sem_alloc : memref<!tpu.dma_semaphore, #tpu.memory_space<semaphore_mem>>
      %dma_start3A = arith.constant 0 : i32
      %dma_start3A_11 = tpu.memref_slice %arg8[%mul3A_2, %dma_start3A] : memref<10240x128xf32, #tpu.memory_space<vmem_shared>> -> memref<640x128xf32, #tpu.memory_space<vmem_shared>>
      tpu.enqueue_dma source(%arg4 : memref<640x128xf32, #tpu.memory_space<hbm>>) target(%dma_start3A_11 : memref<640x128xf32, #tpu.memory_space<vmem_shared>>) target_semaphore(%run_scoped3A : memref<!tpu.dma_semaphore, #tpu.memory_space<semaphore_mem>>)
      %dma_wait3A = arith.constant 0 : i32
      %dma_wait3A_12 = tpu.memref_slice %arg8[%mul3A_2, %dma_wait3A] : memref<10240x128xf32, #tpu.memory_space<vmem_shared>> -> memref<640x128xf32, #tpu.memory_space<vmem_shared>>
      tpu.wait_dma2 semaphore(%run_scoped3A : memref<!tpu.dma_semaphore, #tpu.memory_space<semaphore_mem>>) src(%arg4 : memref<640x128xf32, #tpu.memory_space<hbm>>) dst(%dma_wait3A_12 : memref<640x128xf32, #tpu.memory_space<vmem_shared>>)
      tpu.yield
    }) : () -> ()
    "tpu.region"() ({
      %run_scoped3A = tpu.sem_alloc : memref<!tpu.dma_semaphore, #tpu.memory_space<semaphore_mem>>
      tpu.enqueue_dma source(%arg3 : memref<128x128xf32, #tpu.memory_space<hbm>>) target(%arg7 : memref<128x128xf32, #tpu.memory_space<vmem>>) target_semaphore(%run_scoped3A : memref<!tpu.dma_semaphore, #tpu.memory_space<semaphore_mem>>)
      tpu.wait_dma2 semaphore(%run_scoped3A : memref<!tpu.dma_semaphore, #tpu.memory_space<semaphore_mem>>) src(%arg3 : memref<128x128xf32, #tpu.memory_space<hbm>>) dst(%arg7 : memref<128x128xf32, #tpu.memory_space<vmem>>)
      tpu.yield
    }) : () -> ()
    "tpu.region"() ({
      %run_scoped3A = tpu.sem_alloc : memref<!tpu.dma_semaphore, #tpu.memory_space<semaphore_mem>>
      %dma_start3A = arith.constant 0 : i32
      %dma_start3A_11 = arith.constant 0 : i32
      %dma_start3A_12 = tpu.memref_slice %arg2[%add3A, %dma_start3A, %dma_start3A_11] : memref<32x80x128xi32, #tpu.memory_space<hbm>> -> memref<1x80x128xi32, #tpu.memory_space<hbm>>
      %dma_start3A_13 = tpu.memref_squeeze %dma_start3A_12 : memref<1x80x128xi32, #tpu.memory_space<hbm>> -> memref<80x128xi32, #tpu.memory_space<hbm>>
      %dma_start3A_14 = arith.constant 0 : i32
      %dma_start3A_15 = arith.constant 0 : i32
      %dma_start3A_16 = tpu.memref_slice %arg2[%add3A, %dma_start3A_14, %dma_start3A_15] : memref<32x80x128xi32, #tpu.memory_space<hbm>> -> memref<1x80x128xi32, #tpu.memory_space<hbm>>
      %dma_start3A_17 = tpu.memref_squeeze %dma_start3A_16 : memref<1x80x128xi32, #tpu.memory_space<hbm>> -> memref<80x128xi32, #tpu.memory_space<hbm>>
      tpu.enqueue_dma source(%dma_start3A_17 : memref<80x128xi32, #tpu.memory_space<hbm>>) target(%arg6 : memref<80x128xi32, #tpu.memory_space<vmem>>) target_semaphore(%run_scoped3A : memref<!tpu.dma_semaphore, #tpu.memory_space<semaphore_mem>>)
      %dma_wait3A = arith.constant 0 : i32
      %dma_wait3A_18 = arith.constant 0 : i32
      %dma_wait3A_19 = tpu.memref_slice %arg2[%add3A, %dma_wait3A, %dma_wait3A_18] : memref<32x80x128xi32, #tpu.memory_space<hbm>> -> memref<1x80x128xi32, #tpu.memory_space<hbm>>
      %dma_wait3A_20 = tpu.memref_squeeze %dma_wait3A_19 : memref<1x80x128xi32, #tpu.memory_space<hbm>> -> memref<80x128xi32, #tpu.memory_space<hbm>>
      %dma_wait3A_21 = arith.constant 0 : i32
      %dma_wait3A_22 = arith.constant 0 : i32
      %dma_wait3A_23 = tpu.memref_slice %arg2[%add3A, %dma_wait3A_21, %dma_wait3A_22] : memref<32x80x128xi32, #tpu.memory_space<hbm>> -> memref<1x80x128xi32, #tpu.memory_space<hbm>>
      %dma_wait3A_24 = tpu.memref_squeeze %dma_wait3A_23 : memref<1x80x128xi32, #tpu.memory_space<hbm>> -> memref<80x128xi32, #tpu.memory_space<hbm>>
      tpu.wait_dma2 semaphore(%run_scoped3A : memref<!tpu.dma_semaphore, #tpu.memory_space<semaphore_mem>>) src(%dma_wait3A_24 : memref<80x128xi32, #tpu.memory_space<hbm>>) dst(%arg6 : memref<80x128xi32, #tpu.memory_space<vmem>>)
      tpu.yield
    }) : () -> ()
    %barrier3A = arith.constant 0 : index
    tpu.barrier barrier_id(%barrier3A)
    %scan3A = arith.constant 0 : i32
    %scan3A_3 = arith.constant 0 : i32
    %scan3A_4 = arith.constant 80 : i32
    %scan3A_5 = arith.addi %scan3A_3, %scan3A_4 : i32
    %scan3A_6 = arith.constant 1 : i32
    scf.for %scan3A_11 = %scan3A_3 to %scan3A_5 step %scan3A_6  : i32 {
      "tpu.region"() ({
        %run_scoped3A = tpu.sem_alloc : memref<!tpu.dma_semaphore, #tpu.memory_space<semaphore_mem>>
        %dma_start3A = arith.constant 0 : i32
        %dma_start3A_12 = tpu.memref_slice %arg6[%scan3A_11, %dma_start3A] : memref<80x128xi32, #tpu.memory_space<vmem>> -> memref<1x128xi32, #tpu.memory_space<vmem>>
        %dma_start3A_13 = tpu.memref_squeeze %dma_start3A_12 : memref<1x128xi32, #tpu.memory_space<vmem>> -> memref<128xi32, #tpu.memory_space<vmem>>
        %dma_start3A_14 = arith.constant 0 : i32
        %dma_start3A_15 = arith.constant 0 : i32
        %dma_start3A_16 = tpu.memref_slice %arg8[%dma_start3A_14, %dma_start3A_15] : memref<10240x128xf32, #tpu.memory_space<vmem_shared>> -> memref<10240x128xf32, #tpu.memory_space<vmem_shared>>
        tpu.enqueue_indirect_dma source(%arg7 : memref<128x128xf32, #tpu.memory_space<vmem>>) target(%dma_start3A_16 : memref<10240x128xf32, #tpu.memory_space<vmem_shared>>) offsets(%dma_start3A_13 : memref<128xi32, #tpu.memory_space<vmem>>) semaphore(%run_scoped3A : memref<!tpu.dma_semaphore, #tpu.memory_space<semaphore_mem>>) {add = true}
        %dma_wait3A = arith.constant 0 : i32
        %dma_wait3A_17 = tpu.memref_slice %arg6[%scan3A_11, %dma_wait3A] : memref<80x128xi32, #tpu.memory_space<vmem>> -> memref<1x128xi32, #tpu.memory_space<vmem>>
        %dma_wait3A_18 = tpu.memref_squeeze %dma_wait3A_17 : memref<1x128xi32, #tpu.memory_space<vmem>> -> memref<128xi32, #tpu.memory_space<vmem>>
        %dma_wait3A_19 = arith.constant 0 : i32
        %dma_wait3A_20 = arith.constant 0 : i32
        %dma_wait3A_21 = tpu.memref_slice %arg8[%dma_wait3A_19, %dma_wait3A_20] : memref<10240x128xf32, #tpu.memory_space<vmem_shared>> -> memref<10240x128xf32, #tpu.memory_space<vmem_shared>>
        tpu.wait_indirect_dma semaphore(%run_scoped3A : memref<!tpu.dma_semaphore, #tpu.memory_space<semaphore_mem>>) src(%arg7 : memref<128x128xf32, #tpu.memory_space<vmem>>) dst(%dma_wait3A_21 : memref<10240x128xf32, #tpu.memory_space<vmem_shared>>)
        tpu.yield
      }) : () -> ()
    }
    %scan3A_7 = arith.constant 80 : i32
    %barrier3A_8 = arith.constant 0 : index
    tpu.barrier barrier_id(%barrier3A_8)
    %mul3A_9 = arith.constant 640 : i32
    %mul3A_10 = arith.muli %arg1, %mul3A_9 : i32
    "tpu.region"() ({
      %run_scoped3A = tpu.sem_alloc : memref<!tpu.dma_semaphore, #tpu.memory_space<semaphore_mem>>
      %dma_start3A = arith.constant 0 : i32
      %dma_start3A_11 = tpu.memref_slice %arg5[%arg0, %mul3A_10, %dma_start3A] : memref<2x10240x128xf32, #tpu.memory_space<hbm>> -> memref<1x640x128xf32, #tpu.memory_space<hbm>>
      %dma_start3A_12 = tpu.memref_squeeze %dma_start3A_11 : memref<1x640x128xf32, #tpu.memory_space<hbm>> -> memref<640x128xf32, #tpu.memory_space<hbm>>
      %dma_start3A_13 = arith.constant 0 : i32
      %dma_start3A_14 = tpu.memref_slice %arg8[%mul3A_10, %dma_start3A_13] : memref<10240x128xf32, #tpu.memory_space<vmem_shared>> -> memref<640x128xf32, #tpu.memory_space<vmem_shared>>
      tpu.enqueue_dma source(%dma_start3A_14 : memref<640x128xf32, #tpu.memory_space<vmem_shared>>) target(%dma_start3A_12 : memref<640x128xf32, #tpu.memory_space<hbm>>) target_semaphore(%run_scoped3A : memref<!tpu.dma_semaphore, #tpu.memory_space<semaphore_mem>>)
      %dma_wait3A = arith.constant 0 : i32
      %dma_wait3A_15 = tpu.memref_slice %arg5[%arg0, %mul3A_10, %dma_wait3A] : memref<2x10240x128xf32, #tpu.memory_space<hbm>> -> memref<1x640x128xf32, #tpu.memory_space<hbm>>
      %dma_wait3A_16 = tpu.memref_squeeze %dma_wait3A_15 : memref<1x640x128xf32, #tpu.memory_space<hbm>> -> memref<640x128xf32, #tpu.memory_space<hbm>>
      %dma_wait3A_17 = arith.constant 0 : i32
      %dma_wait3A_18 = tpu.memref_slice %arg8[%mul3A_10, %dma_wait3A_17] : memref<10240x128xf32, #tpu.memory_space<vmem_shared>> -> memref<640x128xf32, #tpu.memory_space<vmem_shared>>
      tpu.wait_dma2 semaphore(%run_scoped3A : memref<!tpu.dma_semaphore, #tpu.memory_space<semaphore_mem>>) src(%dma_wait3A_18 : memref<640x128xf32, #tpu.memory_space<vmem_shared>>) dst(%dma_wait3A_16 : memref<640x128xf32, #tpu.memory_space<hbm>>)
      tpu.yield
    }) : () -> ()
    return
  }
}

#map = affine_map<(d0, d1) -> (0, 0)>
#map1 = affine_map<(d0, d1) -> (0, 0, 0)>
module attributes {stable_mosaic.version = 14 : i64} {
  func.func @_agg_body(%arg0: i32, %arg1: i32, %arg2: memref<10240x128xf32, #tpu.memory_space<hbm>>, %arg3: memref<32x160x64xi32, #tpu.memory_space<hbm>>, %arg4: memref<32x160x64xi32, #tpu.memory_space<hbm>>, %arg5: memref<640x128xf32, #tpu.memory_space<hbm>>, %arg6: memref<2x10240x128xf32, #tpu.memory_space<hbm>>, %arg7: memref<160x64xi32, #tpu.memory_space<vmem>>, %arg8: memref<160x64xi32, #tpu.memory_space<vmem>>, %arg9: memref<3x64x128xf32, #tpu.memory_space<vmem>>, %arg10: memref<10240x128xf32, #tpu.memory_space<vmem_shared>>, %arg11: memref<!tpu.dma_semaphore, #tpu.memory_space<semaphore_mem>>, %arg12: memref<!tpu.dma_semaphore, #tpu.memory_space<semaphore_mem>>) attributes {dimension_semantics = [#tpu.dimension_semantics<core_parallel>, #tpu.dimension_semantics<subcore_parallel>], iteration_bounds = array<i64: 2, 16>, scalar_prefetch = 0 : i64, scratch_operands = 6 : i64, tpu.core_type = #tpu.core_type<sc_vector_subcore>, window_params = [{transform_indices = #map}, {transform_indices = #map1}, {transform_indices = #map1}, {transform_indices = #map}, {transform_indices = #map1}]} {
    %mul3A = arith.constant 16 : i32
    %mul3A_0 = arith.muli %arg0, %mul3A : i32
    %add3A = arith.addi %mul3A_0, %arg1 : i32
    %mul3A_1 = arith.constant 640 : i32
    %mul3A_2 = arith.muli %arg1, %mul3A_1 : i32
    "tpu.region"() ({
      %run_scoped3A = tpu.sem_alloc : memref<!tpu.dma_semaphore, #tpu.memory_space<semaphore_mem>>
      %dma_start3A = arith.constant 0 : i32
      %dma_start3A_11 = tpu.memref_slice %arg10[%mul3A_2, %dma_start3A] : memref<10240x128xf32, #tpu.memory_space<vmem_shared>> -> memref<640x128xf32, #tpu.memory_space<vmem_shared>>
      tpu.enqueue_dma source(%arg5 : memref<640x128xf32, #tpu.memory_space<hbm>>) target(%dma_start3A_11 : memref<640x128xf32, #tpu.memory_space<vmem_shared>>) target_semaphore(%run_scoped3A : memref<!tpu.dma_semaphore, #tpu.memory_space<semaphore_mem>>)
      %dma_wait3A = arith.constant 0 : i32
      %dma_wait3A_12 = tpu.memref_slice %arg10[%mul3A_2, %dma_wait3A] : memref<10240x128xf32, #tpu.memory_space<vmem_shared>> -> memref<640x128xf32, #tpu.memory_space<vmem_shared>>
      tpu.wait_dma2 semaphore(%run_scoped3A : memref<!tpu.dma_semaphore, #tpu.memory_space<semaphore_mem>>) src(%arg5 : memref<640x128xf32, #tpu.memory_space<hbm>>) dst(%dma_wait3A_12 : memref<640x128xf32, #tpu.memory_space<vmem_shared>>)
      tpu.yield
    }) : () -> ()
    "tpu.region"() ({
      %run_scoped3A = tpu.sem_alloc : memref<!tpu.dma_semaphore, #tpu.memory_space<semaphore_mem>>
      %dma_start3A = arith.constant 0 : i32
      %dma_start3A_11 = arith.constant 0 : i32
      %dma_start3A_12 = tpu.memref_slice %arg3[%add3A, %dma_start3A, %dma_start3A_11] : memref<32x160x64xi32, #tpu.memory_space<hbm>> -> memref<1x160x64xi32, #tpu.memory_space<hbm>>
      %dma_start3A_13 = tpu.memref_squeeze %dma_start3A_12 : memref<1x160x64xi32, #tpu.memory_space<hbm>> -> memref<160x64xi32, #tpu.memory_space<hbm>>
      %dma_start3A_14 = arith.constant 0 : i32
      %dma_start3A_15 = arith.constant 0 : i32
      %dma_start3A_16 = tpu.memref_slice %arg3[%add3A, %dma_start3A_14, %dma_start3A_15] : memref<32x160x64xi32, #tpu.memory_space<hbm>> -> memref<1x160x64xi32, #tpu.memory_space<hbm>>
      %dma_start3A_17 = tpu.memref_squeeze %dma_start3A_16 : memref<1x160x64xi32, #tpu.memory_space<hbm>> -> memref<160x64xi32, #tpu.memory_space<hbm>>
      tpu.enqueue_dma source(%dma_start3A_17 : memref<160x64xi32, #tpu.memory_space<hbm>>) target(%arg7 : memref<160x64xi32, #tpu.memory_space<vmem>>) target_semaphore(%run_scoped3A : memref<!tpu.dma_semaphore, #tpu.memory_space<semaphore_mem>>)
      %dma_wait3A = arith.constant 0 : i32
      %dma_wait3A_18 = arith.constant 0 : i32
      %dma_wait3A_19 = tpu.memref_slice %arg3[%add3A, %dma_wait3A, %dma_wait3A_18] : memref<32x160x64xi32, #tpu.memory_space<hbm>> -> memref<1x160x64xi32, #tpu.memory_space<hbm>>
      %dma_wait3A_20 = tpu.memref_squeeze %dma_wait3A_19 : memref<1x160x64xi32, #tpu.memory_space<hbm>> -> memref<160x64xi32, #tpu.memory_space<hbm>>
      %dma_wait3A_21 = arith.constant 0 : i32
      %dma_wait3A_22 = arith.constant 0 : i32
      %dma_wait3A_23 = tpu.memref_slice %arg3[%add3A, %dma_wait3A_21, %dma_wait3A_22] : memref<32x160x64xi32, #tpu.memory_space<hbm>> -> memref<1x160x64xi32, #tpu.memory_space<hbm>>
      %dma_wait3A_24 = tpu.memref_squeeze %dma_wait3A_23 : memref<1x160x64xi32, #tpu.memory_space<hbm>> -> memref<160x64xi32, #tpu.memory_space<hbm>>
      tpu.wait_dma2 semaphore(%run_scoped3A : memref<!tpu.dma_semaphore, #tpu.memory_space<semaphore_mem>>) src(%dma_wait3A_24 : memref<160x64xi32, #tpu.memory_space<hbm>>) dst(%arg7 : memref<160x64xi32, #tpu.memory_space<vmem>>)
      tpu.yield
    }) : () -> ()
    "tpu.region"() ({
      %run_scoped3A = tpu.sem_alloc : memref<!tpu.dma_semaphore, #tpu.memory_space<semaphore_mem>>
      %dma_start3A = arith.constant 0 : i32
      %dma_start3A_11 = arith.constant 0 : i32
      %dma_start3A_12 = tpu.memref_slice %arg4[%add3A, %dma_start3A, %dma_start3A_11] : memref<32x160x64xi32, #tpu.memory_space<hbm>> -> memref<1x160x64xi32, #tpu.memory_space<hbm>>
      %dma_start3A_13 = tpu.memref_squeeze %dma_start3A_12 : memref<1x160x64xi32, #tpu.memory_space<hbm>> -> memref<160x64xi32, #tpu.memory_space<hbm>>
      %dma_start3A_14 = arith.constant 0 : i32
      %dma_start3A_15 = arith.constant 0 : i32
      %dma_start3A_16 = tpu.memref_slice %arg4[%add3A, %dma_start3A_14, %dma_start3A_15] : memref<32x160x64xi32, #tpu.memory_space<hbm>> -> memref<1x160x64xi32, #tpu.memory_space<hbm>>
      %dma_start3A_17 = tpu.memref_squeeze %dma_start3A_16 : memref<1x160x64xi32, #tpu.memory_space<hbm>> -> memref<160x64xi32, #tpu.memory_space<hbm>>
      tpu.enqueue_dma source(%dma_start3A_17 : memref<160x64xi32, #tpu.memory_space<hbm>>) target(%arg8 : memref<160x64xi32, #tpu.memory_space<vmem>>) target_semaphore(%run_scoped3A : memref<!tpu.dma_semaphore, #tpu.memory_space<semaphore_mem>>)
      %dma_wait3A = arith.constant 0 : i32
      %dma_wait3A_18 = arith.constant 0 : i32
      %dma_wait3A_19 = tpu.memref_slice %arg4[%add3A, %dma_wait3A, %dma_wait3A_18] : memref<32x160x64xi32, #tpu.memory_space<hbm>> -> memref<1x160x64xi32, #tpu.memory_space<hbm>>
      %dma_wait3A_20 = tpu.memref_squeeze %dma_wait3A_19 : memref<1x160x64xi32, #tpu.memory_space<hbm>> -> memref<160x64xi32, #tpu.memory_space<hbm>>
      %dma_wait3A_21 = arith.constant 0 : i32
      %dma_wait3A_22 = arith.constant 0 : i32
      %dma_wait3A_23 = tpu.memref_slice %arg4[%add3A, %dma_wait3A_21, %dma_wait3A_22] : memref<32x160x64xi32, #tpu.memory_space<hbm>> -> memref<1x160x64xi32, #tpu.memory_space<hbm>>
      %dma_wait3A_24 = tpu.memref_squeeze %dma_wait3A_23 : memref<1x160x64xi32, #tpu.memory_space<hbm>> -> memref<160x64xi32, #tpu.memory_space<hbm>>
      tpu.wait_dma2 semaphore(%run_scoped3A : memref<!tpu.dma_semaphore, #tpu.memory_space<semaphore_mem>>) src(%dma_wait3A_24 : memref<160x64xi32, #tpu.memory_space<hbm>>) dst(%arg8 : memref<160x64xi32, #tpu.memory_space<vmem>>)
      tpu.yield
    }) : () -> ()
    %barrier3A = arith.constant 0 : index
    tpu.barrier barrier_id(%barrier3A)
    %scan3A = arith.constant 0 : i32
    %scan3A_3 = arith.constant 0 : i32
    %scan3A_4 = arith.constant 163 : i32
    %scan3A_5 = arith.addi %scan3A_3, %scan3A_4 : i32
    %scan3A_6 = arith.constant 1 : i32
    scf.for %scan3A_11 = %scan3A_3 to %scan3A_5 step %scan3A_6  : i32 {
      %ge3A = arith.constant 2 : i32
      %ge3A_12 = arith.cmpi sge, %scan3A_11, %ge3A : i32
      %lt3A = arith.constant 162 : i32
      %lt3A_13 = arith.cmpi slt, %scan3A_11, %lt3A : i32
      %and3A = arith.andi %ge3A_12, %lt3A_13 : i1
      %convert_element_type3A = arith.extui %and3A : i1 to i32
      %cond3A = arith.constant 0 : i32
      %cond3A_14 = arith.cmpi ne, %convert_element_type3A, %cond3A : i32
      scf.if %cond3A_14 {
        %sub3A = arith.constant 2 : i32
        %sub3A_25 = arith.subi %scan3A_11, %sub3A : i32
        %rem3A = arith.constant 3 : i32
        %rem3A_26 = arith.remsi %sub3A_25, %rem3A : i32
        %dma_wait3A = arith.constant 0 : i32
        %dma_wait3A_27 = arith.constant 0 : i32
        %dma_wait3A_28 = tpu.memref_slice %arg9[%rem3A_26, %dma_wait3A, %dma_wait3A_27] : memref<3x64x128xf32, #tpu.memory_space<vmem>> -> memref<1x64x128xf32, #tpu.memory_space<vmem>>
        %dma_wait3A_29 = tpu.memref_squeeze %dma_wait3A_28 : memref<1x64x128xf32, #tpu.memory_space<vmem>> -> memref<64x128xf32, #tpu.memory_space<vmem>>
        %dma_wait3A_30 = arith.constant 0 : i32
        %dma_wait3A_31 = tpu.memref_slice %arg7[%sub3A_25, %dma_wait3A_30] : memref<160x64xi32, #tpu.memory_space<vmem>> -> memref<1x64xi32, #tpu.memory_space<vmem>>
        %dma_wait3A_32 = tpu.memref_squeeze %dma_wait3A_31 : memref<1x64xi32, #tpu.memory_space<vmem>> -> memref<64xi32, #tpu.memory_space<vmem>>
        %dma_wait3A_33 = arith.constant 0 : i32
        %dma_wait3A_34 = arith.constant 0 : i32
        %dma_wait3A_35 = tpu.memref_slice %arg2[%dma_wait3A_33, %dma_wait3A_34] : memref<10240x128xf32, #tpu.memory_space<hbm>> -> memref<10240x128xf32, #tpu.memory_space<hbm>>
        tpu.wait_indirect_dma semaphore(%arg11 : memref<!tpu.dma_semaphore, #tpu.memory_space<semaphore_mem>>) src(%dma_wait3A_35 : memref<10240x128xf32, #tpu.memory_space<hbm>>) dst(%dma_wait3A_29 : memref<64x128xf32, #tpu.memory_space<vmem>>)
        %dma_start3A = arith.constant 0 : i32
        %dma_start3A_36 = arith.constant 0 : i32
        %dma_start3A_37 = tpu.memref_slice %arg9[%rem3A_26, %dma_start3A, %dma_start3A_36] : memref<3x64x128xf32, #tpu.memory_space<vmem>> -> memref<1x64x128xf32, #tpu.memory_space<vmem>>
        %dma_start3A_38 = tpu.memref_squeeze %dma_start3A_37 : memref<1x64x128xf32, #tpu.memory_space<vmem>> -> memref<64x128xf32, #tpu.memory_space<vmem>>
        %dma_start3A_39 = arith.constant 0 : i32
        %dma_start3A_40 = tpu.memref_slice %arg8[%sub3A_25, %dma_start3A_39] : memref<160x64xi32, #tpu.memory_space<vmem>> -> memref<1x64xi32, #tpu.memory_space<vmem>>
        %dma_start3A_41 = tpu.memref_squeeze %dma_start3A_40 : memref<1x64xi32, #tpu.memory_space<vmem>> -> memref<64xi32, #tpu.memory_space<vmem>>
        %dma_start3A_42 = arith.constant 0 : i32
        %dma_start3A_43 = arith.constant 0 : i32
        %dma_start3A_44 = tpu.memref_slice %arg10[%dma_start3A_42, %dma_start3A_43] : memref<10240x128xf32, #tpu.memory_space<vmem_shared>> -> memref<10240x128xf32, #tpu.memory_space<vmem_shared>>
        tpu.enqueue_indirect_dma source(%dma_start3A_38 : memref<64x128xf32, #tpu.memory_space<vmem>>) target(%dma_start3A_44 : memref<10240x128xf32, #tpu.memory_space<vmem_shared>>) offsets(%dma_start3A_41 : memref<64xi32, #tpu.memory_space<vmem>>) semaphore(%arg12 : memref<!tpu.dma_semaphore, #tpu.memory_space<semaphore_mem>>) {add = true}
      } else {
      }
      %ge3A_15 = arith.constant 3 : i32
      %ge3A_16 = arith.cmpi sge, %scan3A_11, %ge3A_15 : i32
      %convert_element_type3A_17 = arith.extui %ge3A_16 : i1 to i32
      %cond3A_18 = arith.constant 0 : i32
      %cond3A_19 = arith.cmpi ne, %convert_element_type3A_17, %cond3A_18 : i32
      scf.if %cond3A_19 {
        %sub3A = arith.constant 3 : i32
        %sub3A_25 = arith.subi %scan3A_11, %sub3A : i32
        %rem3A = arith.constant 3 : i32
        %rem3A_26 = arith.remsi %sub3A_25, %rem3A : i32
        %dma_wait3A = arith.constant 0 : i32
        %dma_wait3A_27 = arith.constant 0 : i32
        %dma_wait3A_28 = tpu.memref_slice %arg9[%rem3A_26, %dma_wait3A, %dma_wait3A_27] : memref<3x64x128xf32, #tpu.memory_space<vmem>> -> memref<1x64x128xf32, #tpu.memory_space<vmem>>
        %dma_wait3A_29 = tpu.memref_squeeze %dma_wait3A_28 : memref<1x64x128xf32, #tpu.memory_space<vmem>> -> memref<64x128xf32, #tpu.memory_space<vmem>>
        %dma_wait3A_30 = arith.constant 0 : i32
        %dma_wait3A_31 = tpu.memref_slice %arg8[%sub3A_25, %dma_wait3A_30] : memref<160x64xi32, #tpu.memory_space<vmem>> -> memref<1x64xi32, #tpu.memory_space<vmem>>
        %dma_wait3A_32 = tpu.memref_squeeze %dma_wait3A_31 : memref<1x64xi32, #tpu.memory_space<vmem>> -> memref<64xi32, #tpu.memory_space<vmem>>
        %dma_wait3A_33 = arith.constant 0 : i32
        %dma_wait3A_34 = arith.constant 0 : i32
        %dma_wait3A_35 = tpu.memref_slice %arg10[%dma_wait3A_33, %dma_wait3A_34] : memref<10240x128xf32, #tpu.memory_space<vmem_shared>> -> memref<10240x128xf32, #tpu.memory_space<vmem_shared>>
        tpu.wait_indirect_dma semaphore(%arg12 : memref<!tpu.dma_semaphore, #tpu.memory_space<semaphore_mem>>) src(%dma_wait3A_29 : memref<64x128xf32, #tpu.memory_space<vmem>>) dst(%dma_wait3A_35 : memref<10240x128xf32, #tpu.memory_space<vmem_shared>>)
        %lt3A_36 = arith.constant 160 : i32
        %lt3A_37 = arith.cmpi slt, %scan3A_11, %lt3A_36 : i32
        %convert_element_type3A_38 = arith.extui %lt3A_37 : i1 to i32
        %cond3A_39 = arith.constant 0 : i32
        %cond3A_40 = arith.cmpi ne, %convert_element_type3A_38, %cond3A_39 : i32
        scf.if %cond3A_40 {
          %dma_start3A = arith.constant 0 : i32
          %dma_start3A_41 = arith.constant 0 : i32
          %dma_start3A_42 = tpu.memref_slice %arg9[%rem3A_26, %dma_start3A, %dma_start3A_41] : memref<3x64x128xf32, #tpu.memory_space<vmem>> -> memref<1x64x128xf32, #tpu.memory_space<vmem>>
          %dma_start3A_43 = tpu.memref_squeeze %dma_start3A_42 : memref<1x64x128xf32, #tpu.memory_space<vmem>> -> memref<64x128xf32, #tpu.memory_space<vmem>>
          %dma_start3A_44 = arith.constant 0 : i32
          %dma_start3A_45 = tpu.memref_slice %arg7[%scan3A_11, %dma_start3A_44] : memref<160x64xi32, #tpu.memory_space<vmem>> -> memref<1x64xi32, #tpu.memory_space<vmem>>
          %dma_start3A_46 = tpu.memref_squeeze %dma_start3A_45 : memref<1x64xi32, #tpu.memory_space<vmem>> -> memref<64xi32, #tpu.memory_space<vmem>>
          %dma_start3A_47 = arith.constant 0 : i32
          %dma_start3A_48 = arith.constant 0 : i32
          %dma_start3A_49 = tpu.memref_slice %arg2[%dma_start3A_47, %dma_start3A_48] : memref<10240x128xf32, #tpu.memory_space<hbm>> -> memref<10240x128xf32, #tpu.memory_space<hbm>>
          tpu.enqueue_indirect_dma source(%dma_start3A_49 : memref<10240x128xf32, #tpu.memory_space<hbm>>) target(%dma_start3A_43 : memref<64x128xf32, #tpu.memory_space<vmem>>) offsets(%dma_start3A_46 : memref<64xi32, #tpu.memory_space<vmem>>) semaphore(%arg11 : memref<!tpu.dma_semaphore, #tpu.memory_space<semaphore_mem>>)
        } else {
        }
      } else {
      }
      %lt3A_20 = arith.constant 3 : i32
      %lt3A_21 = arith.cmpi slt, %scan3A_11, %lt3A_20 : i32
      %convert_element_type3A_22 = arith.extui %lt3A_21 : i1 to i32
      %cond3A_23 = arith.constant 0 : i32
      %cond3A_24 = arith.cmpi ne, %convert_element_type3A_22, %cond3A_23 : i32
      scf.if %cond3A_24 {
        %rem3A = arith.constant 3 : i32
        %rem3A_25 = arith.remsi %scan3A_11, %rem3A : i32
        %dma_start3A = arith.constant 0 : i32
        %dma_start3A_26 = arith.constant 0 : i32
        %dma_start3A_27 = tpu.memref_slice %arg9[%rem3A_25, %dma_start3A, %dma_start3A_26] : memref<3x64x128xf32, #tpu.memory_space<vmem>> -> memref<1x64x128xf32, #tpu.memory_space<vmem>>
        %dma_start3A_28 = tpu.memref_squeeze %dma_start3A_27 : memref<1x64x128xf32, #tpu.memory_space<vmem>> -> memref<64x128xf32, #tpu.memory_space<vmem>>
        %dma_start3A_29 = arith.constant 0 : i32
        %dma_start3A_30 = tpu.memref_slice %arg7[%scan3A_11, %dma_start3A_29] : memref<160x64xi32, #tpu.memory_space<vmem>> -> memref<1x64xi32, #tpu.memory_space<vmem>>
        %dma_start3A_31 = tpu.memref_squeeze %dma_start3A_30 : memref<1x64xi32, #tpu.memory_space<vmem>> -> memref<64xi32, #tpu.memory_space<vmem>>
        %dma_start3A_32 = arith.constant 0 : i32
        %dma_start3A_33 = arith.constant 0 : i32
        %dma_start3A_34 = tpu.memref_slice %arg2[%dma_start3A_32, %dma_start3A_33] : memref<10240x128xf32, #tpu.memory_space<hbm>> -> memref<10240x128xf32, #tpu.memory_space<hbm>>
        tpu.enqueue_indirect_dma source(%dma_start3A_34 : memref<10240x128xf32, #tpu.memory_space<hbm>>) target(%dma_start3A_28 : memref<64x128xf32, #tpu.memory_space<vmem>>) offsets(%dma_start3A_31 : memref<64xi32, #tpu.memory_space<vmem>>) semaphore(%arg11 : memref<!tpu.dma_semaphore, #tpu.memory_space<semaphore_mem>>)
      } else {
      }
    }
    %scan3A_7 = arith.constant 163 : i32
    %barrier3A_8 = arith.constant 0 : index
    tpu.barrier barrier_id(%barrier3A_8)
    %mul3A_9 = arith.constant 640 : i32
    %mul3A_10 = arith.muli %arg1, %mul3A_9 : i32
    "tpu.region"() ({
      %run_scoped3A = tpu.sem_alloc : memref<!tpu.dma_semaphore, #tpu.memory_space<semaphore_mem>>
      %dma_start3A = arith.constant 0 : i32
      %dma_start3A_11 = tpu.memref_slice %arg6[%arg0, %mul3A_10, %dma_start3A] : memref<2x10240x128xf32, #tpu.memory_space<hbm>> -> memref<1x640x128xf32, #tpu.memory_space<hbm>>
      %dma_start3A_12 = tpu.memref_squeeze %dma_start3A_11 : memref<1x640x128xf32, #tpu.memory_space<hbm>> -> memref<640x128xf32, #tpu.memory_space<hbm>>
      %dma_start3A_13 = arith.constant 0 : i32
      %dma_start3A_14 = tpu.memref_slice %arg10[%mul3A_10, %dma_start3A_13] : memref<10240x128xf32, #tpu.memory_space<vmem_shared>> -> memref<640x128xf32, #tpu.memory_space<vmem_shared>>
      tpu.enqueue_dma source(%dma_start3A_14 : memref<640x128xf32, #tpu.memory_space<vmem_shared>>) target(%dma_start3A_12 : memref<640x128xf32, #tpu.memory_space<hbm>>) target_semaphore(%run_scoped3A : memref<!tpu.dma_semaphore, #tpu.memory_space<semaphore_mem>>)
      %dma_wait3A = arith.constant 0 : i32
      %dma_wait3A_15 = tpu.memref_slice %arg6[%arg0, %mul3A_10, %dma_wait3A] : memref<2x10240x128xf32, #tpu.memory_space<hbm>> -> memref<1x640x128xf32, #tpu.memory_space<hbm>>
      %dma_wait3A_16 = tpu.memref_squeeze %dma_wait3A_15 : memref<1x640x128xf32, #tpu.memory_space<hbm>> -> memref<640x128xf32, #tpu.memory_space<hbm>>
      %dma_wait3A_17 = arith.constant 0 : i32
      %dma_wait3A_18 = tpu.memref_slice %arg10[%mul3A_10, %dma_wait3A_17] : memref<10240x128xf32, #tpu.memory_space<vmem_shared>> -> memref<640x128xf32, #tpu.memory_space<vmem_shared>>
      tpu.wait_dma2 semaphore(%run_scoped3A : memref<!tpu.dma_semaphore, #tpu.memory_space<semaphore_mem>>) src(%dma_wait3A_18 : memref<640x128xf32, #tpu.memory_space<vmem_shared>>) dst(%dma_wait3A_16 : memref<640x128xf32, #tpu.memory_space<hbm>>)
      tpu.yield
    }) : () -> ()
    return
  }
}

module attributes {stable_mosaic.version = 14 : i64} {
  func.func @_scales_body(%arg0: i32, %arg1: memref<2x2048x128xf32, #tpu.memory_space<vmem>>, %arg2: memref<2x2048x128xf32, #tpu.memory_space<vmem>>, %arg3: memref<2048x1xf32, #tpu.memory_space<vmem>>, %arg4: memref<2048x1xf32, #tpu.memory_space<vmem>>, %arg5: memref<2048x1xf32, #tpu.memory_space<vmem>>) attributes {dimension_semantics = [#tpu.dimension_semantics<arbitrary>], iteration_bounds = array<i64: 5>, scalar_prefetch = 0 : i64, scratch_operands = 0 : i64, tpu.core_type = #tpu.core_type<tc>, window_params = [{transform_indices = @transform_0, window_bounds = array<i64: 2, 2048, 128>}, {transform_indices = @transform_1, window_bounds = array<i64: 2, 2048, 128>}, {transform_indices = @transform_2, window_bounds = array<i64: 2048, 1>}, {transform_indices = @transform_3, window_bounds = array<i64: 2048, 1>}, {transform_indices = @transform_4, window_bounds = array<i64: 2048, 1>}]} {
    %get3A = arith.constant 0 : index
    %get3A_0 = arith.constant 0 : index
    %get3A_1 = arith.constant 0 : index
    %get3A_2 = vector.load %arg1[%get3A, %get3A_0, %get3A_1] : memref<2x2048x128xf32, #tpu.memory_space<vmem>>, vector<1x2048x1xf32>
    %get3A_3 = vector.shape_cast %get3A_2 : vector<1x2048x1xf32> to vector<2048x1xf32>
    %get3A_4 = arith.constant 1 : index
    %get3A_5 = arith.constant 0 : index
    %get3A_6 = arith.constant 0 : index
    %get3A_7 = vector.load %arg1[%get3A_4, %get3A_5, %get3A_6] : memref<2x2048x128xf32, #tpu.memory_space<vmem>>, vector<1x2048x1xf32>
    %get3A_8 = vector.shape_cast %get3A_7 : vector<1x2048x1xf32> to vector<2048x1xf32>
    %add3A = arith.addf %get3A_3, %get3A_8 : vector<2048x1xf32>
    %get3A_9 = arith.constant 0 : index
    %get3A_10 = arith.constant 0 : index
    %get3A_11 = arith.constant 0 : index
    %get3A_12 = vector.load %arg2[%get3A_9, %get3A_10, %get3A_11] : memref<2x2048x128xf32, #tpu.memory_space<vmem>>, vector<1x2048x1xf32>
    %get3A_13 = vector.shape_cast %get3A_12 : vector<1x2048x1xf32> to vector<2048x1xf32>
    %get3A_14 = arith.constant 1 : index
    %get3A_15 = arith.constant 0 : index
    %get3A_16 = arith.constant 0 : index
    %get3A_17 = vector.load %arg2[%get3A_14, %get3A_15, %get3A_16] : memref<2x2048x128xf32, #tpu.memory_space<vmem>>, vector<1x2048x1xf32>
    %get3A_18 = vector.shape_cast %get3A_17 : vector<1x2048x1xf32> to vector<2048x1xf32>
    %add3A_19 = arith.addf %get3A_13, %get3A_18 : vector<2048x1xf32>
    %max3A = arith.constant 1.000000e+00 : f32
    %max3A_20 = vector.broadcast %max3A : f32 to vector<2048x1xf32>
    %max3A_21 = arith.maximumf %add3A, %max3A_20 : vector<2048x1xf32>
    %rsqrt3A = math.rsqrt %max3A_21 : vector<2048x1xf32>
    %max3A_22 = arith.constant 1.000000e+00 : f32
    %max3A_23 = vector.broadcast %max3A_22 : f32 to vector<2048x1xf32>
    %max3A_24 = arith.maximumf %add3A_19, %max3A_23 : vector<2048x1xf32>
    %rsqrt3A_25 = math.rsqrt %max3A_24 : vector<2048x1xf32>
    %swap3A = arith.constant 0 : index
    %swap3A_26 = arith.constant 0 : index
    %swap3A_27 = vector.load %arg3[%swap3A, %swap3A_26] : memref<2048x1xf32, #tpu.memory_space<vmem>>, vector<2048x1xf32>
    tpu.vector_store %arg3[%swap3A, %swap3A_26], %rsqrt3A {strides = array<i32>} : memref<2048x1xf32, #tpu.memory_space<vmem>>, vector<2048x1xf32>,
    %swap3A_28 = arith.constant 0 : index
    %swap3A_29 = arith.constant 0 : index
    %swap3A_30 = vector.load %arg4[%swap3A_28, %swap3A_29] : memref<2048x1xf32, #tpu.memory_space<vmem>>, vector<2048x1xf32>
    tpu.vector_store %arg4[%swap3A_28, %swap3A_29], %rsqrt3A_25 {strides = array<i32>} : memref<2048x1xf32, #tpu.memory_space<vmem>>, vector<2048x1xf32>,
    %mul3A = arith.mulf %rsqrt3A, %rsqrt3A_25 : vector<2048x1xf32>
    %swap3A_31 = arith.constant 0 : index
    %swap3A_32 = arith.constant 0 : index
    %swap3A_33 = vector.load %arg5[%swap3A_31, %swap3A_32] : memref<2048x1xf32, #tpu.memory_space<vmem>>, vector<2048x1xf32>
    tpu.vector_store %arg5[%swap3A_31, %swap3A_32], %mul3A {strides = array<i32>} : memref<2048x1xf32, #tpu.memory_space<vmem>>, vector<2048x1xf32>,
    return
  }
  func.func @transform_0(%arg0: i32) -> (i32, i32, i32) {
    %c0_i32 = arith.constant 0 : i32
    %c0_i32_0 = arith.constant 0 : i32
    %c0_i32_1 = arith.constant 0 : i32
    return %c0_i32, %arg0, %c0_i32_0 : i32, i32, i32
  }
  func.func @transform_1(%arg0: i32) -> (i32, i32, i32) {
    %c0_i32 = arith.constant 0 : i32
    %c0_i32_0 = arith.constant 0 : i32
    %c0_i32_1 = arith.constant 0 : i32
    return %c0_i32, %arg0, %c0_i32_0 : i32, i32, i32
  }
  func.func @transform_2(%arg0: i32) -> (i32, i32) {
    %c0_i32 = arith.constant 0 : i32
    %c0_i32_0 = arith.constant 0 : i32
    return %arg0, %c0_i32 : i32, i32
  }
  func.func @transform_3(%arg0: i32) -> (i32, i32) {
    %c0_i32 = arith.constant 0 : i32
    %c0_i32_0 = arith.constant 0 : i32
    return %arg0, %c0_i32 : i32, i32
  }
  func.func @transform_4(%arg0: i32) -> (i32, i32) {
    %c0_i32 = arith.constant 0 : i32
    %c0_i32_0 = arith.constant 0 : i32
    return %arg0, %c0_i32 : i32, i32
  }
}

module attributes {stable_mosaic.version = 14 : i64} {
  func.func @_mm1_body(%arg0: i32, %arg1: memref<1024x128xf32, #tpu.memory_space<vmem>>, %arg2: memref<1024x1xf32, #tpu.memory_space<vmem>>, %arg3: memref<128x128xf32, #tpu.memory_space<vmem>>, %arg4: memref<1024x128xf32, #tpu.memory_space<vmem>>) attributes {dimension_semantics = [#tpu.dimension_semantics<arbitrary>], iteration_bounds = array<i64: 10>, scalar_prefetch = 0 : i64, scratch_operands = 0 : i64, tpu.core_type = #tpu.core_type<tc>, window_params = [{transform_indices = @transform_0, window_bounds = array<i64: 1024, 128>}, {transform_indices = @transform_1, window_bounds = array<i64: 1024, 1>}, {pipeline_mode = #tpu.pipeline_mode<synchronous>, transform_indices = @transform_2, window_bounds = array<i64: 128, 128>}, {transform_indices = @transform_3, window_bounds = array<i64: 1024, 128>}]} {
    %get3A = arith.constant 0 : index
    %get3A_0 = arith.constant 0 : index
    %get3A_1 = vector.load %arg1[%get3A, %get3A_0] : memref<1024x128xf32, #tpu.memory_space<vmem>>, vector<1024x128xf32>
    %get3A_2 = arith.constant 0 : index
    %get3A_3 = arith.constant 0 : index
    %get3A_4 = vector.load %arg2[%get3A_2, %get3A_3] : memref<1024x1xf32, #tpu.memory_space<vmem>>, vector<1024x1xf32>
    %mul3A = vector.broadcast %get3A_4 : vector<1024x1xf32> to vector<1024x128xf32>
    %mul3A_5 = arith.mulf %get3A_1, %mul3A : vector<1024x128xf32>
    %get3A_6 = arith.constant 0 : index
    %get3A_7 = arith.constant 0 : index
    %get3A_8 = vector.load %arg3[%get3A_6, %get3A_7] : memref<128x128xf32, #tpu.memory_space<vmem>>, vector<128x128xf32>
    %dot_general3A = arith.constant dense<0.000000e+00> : vector<1024x128xf32>
    %dot_general3A_9 = tpu.matmul %mul3A_5, %get3A_8, %dot_general3A {dimension_numbers = #tpu.dot_dimension_numbers<[1], [0], [0], [1], [0, 0, 1, 1], [], []>, transpose_lhs_hint = false} : vector<1024x128xf32>, vector<128x128xf32>, vector<1024x128xf32> -> vector<1024x128xf32>
    %swap3A = arith.constant 0 : index
    %swap3A_10 = arith.constant 0 : index
    %swap3A_11 = vector.load %arg4[%swap3A, %swap3A_10] : memref<1024x128xf32, #tpu.memory_space<vmem>>, vector<1024x128xf32>
    tpu.vector_store %arg4[%swap3A, %swap3A_10], %dot_general3A_9 {strides = array<i32>} : memref<1024x128xf32, #tpu.memory_space<vmem>>, vector<1024x128xf32>,
    return
  }
  func.func @transform_0(%arg0: i32) -> (i32, i32) {
    %c0_i32 = arith.constant 0 : i32
    %c0_i32_0 = arith.constant 0 : i32
    return %arg0, %c0_i32 : i32, i32
  }
  func.func @transform_1(%arg0: i32) -> (i32, i32) {
    %c0_i32 = arith.constant 0 : i32
    %c0_i32_0 = arith.constant 0 : i32
    return %arg0, %c0_i32 : i32, i32
  }
  func.func @transform_2(%arg0: i32) -> (i32, i32) {
    %c0_i32 = arith.constant 0 : i32
    %c0_i32_0 = arith.constant 0 : i32
    %c0_i32_1 = arith.constant 0 : i32
    return %c0_i32, %c0_i32_0 : i32, i32
  }
  func.func @transform_3(%arg0: i32) -> (i32, i32) {
    %c0_i32 = arith.constant 0 : i32
    %c0_i32_0 = arith.constant 0 : i32
    return %arg0, %c0_i32 : i32, i32
  }
}

module attributes {stable_mosaic.version = 14 : i64} {
  func.func @_mm2_body(%arg0: i32, %arg1: memref<2x1024x128xf32, #tpu.memory_space<vmem>>, %arg2: memref<1024x1xf32, #tpu.memory_space<vmem>>, %arg3: memref<128x128xf32, #tpu.memory_space<vmem>>, %arg4: memref<1024x128xf32, #tpu.memory_space<vmem>>) attributes {dimension_semantics = [#tpu.dimension_semantics<arbitrary>], iteration_bounds = array<i64: 10>, scalar_prefetch = 0 : i64, scratch_operands = 0 : i64, tpu.core_type = #tpu.core_type<tc>, window_params = [{transform_indices = @transform_0, window_bounds = array<i64: 2, 1024, 128>}, {transform_indices = @transform_1, window_bounds = array<i64: 1024, 1>}, {pipeline_mode = #tpu.pipeline_mode<synchronous>, transform_indices = @transform_2, window_bounds = array<i64: 128, 128>}, {transform_indices = @transform_3, window_bounds = array<i64: 1024, 128>}]} {
    %get3A = arith.constant 0 : index
    %get3A_0 = arith.constant 0 : index
    %get3A_1 = arith.constant 0 : index
    %get3A_2 = vector.load %arg1[%get3A, %get3A_0, %get3A_1] : memref<2x1024x128xf32, #tpu.memory_space<vmem>>, vector<1x1024x128xf32>
    %get3A_3 = vector.shape_cast %get3A_2 : vector<1x1024x128xf32> to vector<1024x128xf32>
    %get3A_4 = arith.constant 1 : index
    %get3A_5 = arith.constant 0 : index
    %get3A_6 = arith.constant 0 : index
    %get3A_7 = vector.load %arg1[%get3A_4, %get3A_5, %get3A_6] : memref<2x1024x128xf32, #tpu.memory_space<vmem>>, vector<1x1024x128xf32>
    %get3A_8 = vector.shape_cast %get3A_7 : vector<1x1024x128xf32> to vector<1024x128xf32>
    %add3A = arith.addf %get3A_3, %get3A_8 : vector<1024x128xf32>
    %max3A = arith.constant 0.000000e+00 : f32
    %max3A_9 = vector.broadcast %max3A : f32 to vector<1024x128xf32>
    %max3A_10 = arith.maximumf %add3A, %max3A_9 : vector<1024x128xf32>
    %get3A_11 = arith.constant 0 : index
    %get3A_12 = arith.constant 0 : index
    %get3A_13 = vector.load %arg2[%get3A_11, %get3A_12] : memref<1024x1xf32, #tpu.memory_space<vmem>>, vector<1024x1xf32>
    %mul3A = vector.broadcast %get3A_13 : vector<1024x1xf32> to vector<1024x128xf32>
    %mul3A_14 = arith.mulf %max3A_10, %mul3A : vector<1024x128xf32>
    %get3A_15 = arith.constant 0 : index
    %get3A_16 = arith.constant 0 : index
    %get3A_17 = vector.load %arg3[%get3A_15, %get3A_16] : memref<128x128xf32, #tpu.memory_space<vmem>>, vector<128x128xf32>
    %dot_general3A = arith.constant dense<0.000000e+00> : vector<1024x128xf32>
    %dot_general3A_18 = tpu.matmul %mul3A_14, %get3A_17, %dot_general3A {dimension_numbers = #tpu.dot_dimension_numbers<[1], [0], [0], [1], [0, 0, 1, 1], [], []>, transpose_lhs_hint = false} : vector<1024x128xf32>, vector<128x128xf32>, vector<1024x128xf32> -> vector<1024x128xf32>
    %swap3A = arith.constant 0 : index
    %swap3A_19 = arith.constant 0 : index
    %swap3A_20 = vector.load %arg4[%swap3A, %swap3A_19] : memref<1024x128xf32, #tpu.memory_space<vmem>>, vector<1024x128xf32>
    tpu.vector_store %arg4[%swap3A, %swap3A_19], %dot_general3A_18 {strides = array<i32>} : memref<1024x128xf32, #tpu.memory_space<vmem>>, vector<1024x128xf32>,
    return
  }
  func.func @transform_0(%arg0: i32) -> (i32, i32, i32) {
    %c0_i32 = arith.constant 0 : i32
    %c0_i32_0 = arith.constant 0 : i32
    %c0_i32_1 = arith.constant 0 : i32
    return %c0_i32, %arg0, %c0_i32_0 : i32, i32, i32
  }
  func.func @transform_1(%arg0: i32) -> (i32, i32) {
    %c0_i32 = arith.constant 0 : i32
    %c0_i32_0 = arith.constant 0 : i32
    return %arg0, %c0_i32 : i32, i32
  }
  func.func @transform_2(%arg0: i32) -> (i32, i32) {
    %c0_i32 = arith.constant 0 : i32
    %c0_i32_0 = arith.constant 0 : i32
    %c0_i32_1 = arith.constant 0 : i32
    return %c0_i32, %c0_i32_0 : i32, i32
  }
  func.func @transform_3(%arg0: i32) -> (i32, i32) {
    %c0_i32 = arith.constant 0 : i32
    %c0_i32_0 = arith.constant 0 : i32
    return %arg0, %c0_i32 : i32, i32
  }
}

module attributes {stable_mosaic.version = 14 : i64} {
  func.func @_final_body(%arg0: i32, %arg1: memref<2x2048x128xf32, #tpu.memory_space<vmem>>, %arg2: memref<2048x1xf32, #tpu.memory_space<vmem>>, %arg3: memref<2048x64xf32, #tpu.memory_space<vmem>>) attributes {dimension_semantics = [#tpu.dimension_semantics<arbitrary>], iteration_bounds = array<i64: 5>, scalar_prefetch = 0 : i64, scratch_operands = 0 : i64, tpu.core_type = #tpu.core_type<tc>, window_params = [{transform_indices = @transform_0, window_bounds = array<i64: 2, 2048, 128>}, {transform_indices = @transform_1, window_bounds = array<i64: 2048, 1>}, {transform_indices = @transform_2, window_bounds = array<i64: 2048, 64>}]} {
    %get3A = arith.constant 0 : index
    %get3A_0 = arith.constant 0 : index
    %get3A_1 = arith.constant 0 : index
    %get3A_2 = vector.load %arg1[%get3A, %get3A_0, %get3A_1] : memref<2x2048x128xf32, #tpu.memory_space<vmem>>, vector<1x2048x64xf32>
    %get3A_3 = vector.shape_cast %get3A_2 : vector<1x2048x64xf32> to vector<2048x64xf32>
    %get3A_4 = arith.constant 1 : index
    %get3A_5 = arith.constant 0 : index
    %get3A_6 = arith.constant 0 : index
    %get3A_7 = vector.load %arg1[%get3A_4, %get3A_5, %get3A_6] : memref<2x2048x128xf32, #tpu.memory_space<vmem>>, vector<1x2048x64xf32>
    %get3A_8 = vector.shape_cast %get3A_7 : vector<1x2048x64xf32> to vector<2048x64xf32>
    %add3A = arith.addf %get3A_3, %get3A_8 : vector<2048x64xf32>
    %get3A_9 = arith.constant 0 : index
    %get3A_10 = arith.constant 0 : index
    %get3A_11 = vector.load %arg2[%get3A_9, %get3A_10] : memref<2048x1xf32, #tpu.memory_space<vmem>>, vector<2048x1xf32>
    %mul3A = vector.broadcast %get3A_11 : vector<2048x1xf32> to vector<2048x64xf32>
    %mul3A_12 = arith.mulf %add3A, %mul3A : vector<2048x64xf32>
    %swap3A = arith.constant 0 : index
    %swap3A_13 = arith.constant 0 : index
    %swap3A_14 = vector.load %arg3[%swap3A, %swap3A_13] : memref<2048x64xf32, #tpu.memory_space<vmem>>, vector<2048x64xf32>
    tpu.vector_store %arg3[%swap3A, %swap3A_13], %mul3A_12 {strides = array<i32>} : memref<2048x64xf32, #tpu.memory_space<vmem>>, vector<2048x64xf32>,
    return
  }
  func.func @transform_0(%arg0: i32) -> (i32, i32, i32) {
    %c0_i32 = arith.constant 0 : i32
    %c0_i32_0 = arith.constant 0 : i32
    %c0_i32_1 = arith.constant 0 : i32
    return %c0_i32, %arg0, %c0_i32_0 : i32, i32, i32
  }
  func.func @transform_1(%arg0: i32) -> (i32, i32) {
    %c0_i32 = arith.constant 0 : i32
    %c0_i32_0 = arith.constant 0 : i32
    return %arg0, %c0_i32 : i32, i32
  }
  func.func @transform_2(%arg0: i32) -> (i32, i32) {
    %c0_i32 = arith.constant 0 : i32
    %c0_i32_0 = arith.constant 0 : i32
    return %arg0, %c0_i32 : i32, i32
  }
}

</mosaic_0001>

<sc_bundles>
// kernel: kernel.12.cloned.1.call-start
scs
__scs_entry_jumppad:
0x0: {  	(pc) =	sbr.rel $0x88, $3  }
0x1: {  	(tag) =	ssettag $0x0;
	lr =	simm.s32 $0x1  }
0x2: {  	[smem:$0x3F9C] =	sst lr;
	_ =	strace $0xD0000000  }
0x3: {  	_ = 	snop  }
0x4: {  	_ = 	snop  }
0x5: {  	_ = 	snop  }
0x6: {  	_ = 	snop  }
0x7: {  	_ = 	snop  }
__scs_overlays_trampoline_lowered:
0x8: {  	[smem:$0x3FAB] =	sst s0  }
0x9: {  	[smem:$0x3FAC] =	sst s1  }
0xa: {  	[smem:$0x3FAD] =	sst s2  }
0xb: {  	[smem:$0x3FAE] =	sst s3  }
0xc: {  	[smem:$0x3FAF] =	sst s4  }
0xd: {  	[smem:$0x3FB0] =	sst s5  }
0xe: {  	[smem:$0x3FB1] =	sst s6  }
0xf: {  	[smem:$0x3FB2] =	sst s7  }
0x10: {  	[smem:$0x3FB3] =	sst s8  }
0x11: {  	[smem:$0x3FB4] =	sst s9;
	s0 =	simm.s32 @!p0 $0x0  }
0x12: {  	s1 =	sld [smem:$0x3F9A];
	s0 =	simm.s32 @p0 $0x1  }
0x13: {  	[smem:$0x3FB5] =	sst s0;
	s0 =	simm.s32 @!p1 $0x0  }
0x14: {  	s2 =	sld [smem:$0x3F99];
	s0 =	simm.s32 @p1 $0x1  }
0x15: {  	[smem:$0x3FB6] =	sst s0;
	s0 =	simm.s32 @!p2 $0x0  }
0x16: {  	s3 =	sld [smem:$0x3FDB];
	s0 =	simm.s32 @p2 $0x1  }
0x17: {  	s4 =	simm.s32 $0x1BF5;
	[smem:$0x3FB8] =	sst s0  }
0x18: {  	s0 =	sld [smem:$0x3F9B];
	_ =	swait.ge [sflag:s4], $0x0  }
0x19: {  	s7 =	sld [smem:$0x3F9C]  }
0x1a: {  	s8 =	sadd.s32 $0xFFFFE003, lr  }
0x1b: {  	s9 =	sadd.s32 $0xFFFFFEF7, lr;
	s5 =	simm.s32 $0xFFFFFFFF;
	p2 =	slt.u32 s8, $0xFFFFF086  }
0x1c: {  	p1 =	slt.u32 s9, $0xF7A;
	s5 =	simm.s32 @!p2 $0x0  }
0x1d: {  	s5 =	simm.s32 @p1 $0x1;
	p0 =	seq.s32 s7, s2  }
0x1e: {  	s7 =	smul.u32 @!p0 $0xF7A, s2;
	p2 =	seq.s32 @!p0 s5, $0x0  }
0x1f: {  	s9 =	smul.u32 $0xF7A, s1;
	s8 =	simm.s32 @!p0 $0x1BF5;
	p2 =	por !p2, p0  }
0x20: {  	[sflag:s8] =	ssyncset.s32 @!p0 $0xFFFFF086;
	s6 =	sadd.s32 @!p0 s3, s7;
	s7 =	simm.s32 @!p0 $0x108  }
0x21: {  	s3 =	sadd.s32 s3, s9;
	s6 =	sadd.s32 @!p0 $0x88, s6;
	s7 =	simm.s32 @p2 $0x1082  }
0x22: {  	[simem:s7], [sflag:s8] =	dma.local @!p0 [hbm:s6], $0xF7A  }
0x23: {  	s9 =	sor.u32 $0xD0000000, s2;
	s6 =	simm.s32 $0x108;
	_ =	swait.ge @!p0 [sflag:s8], $0x0  }
0x24: {  	s3 =	sadd.s32 $0x88, s3;
	s6 =	simm.s32 @!p1 $0x1082;
	[sflag:s4] =	ssyncset.s32 $0xFFFFF086  }
0x25: {  	[simem:s6], [sflag:s4] =	dma.local [hbm:s3], $0xF7A  }
0x26: {  	[smem:$0x3F9C] =	sst s1;
	(tag) =	ssettag s2;
	_ =	strace s9  }
0x27: {  	s1 =	sld [smem:$0x3FAC]  }
0x28: {  	s2 =	sld [smem:$0x3FAD]  }
0x29: {  	s4 =	sld [smem:$0x3FAF]  }
0x2a: {  	p0 =	seq.s32 s5, $0x0;
	s5 =	sld [smem:$0x3FB0]  }
0x2b: {  	s6 =	sld [smem:$0x3FB1]  }
0x2c: {  	s7 =	sld [smem:$0x3FB2]  }
0x2d: {  	s3 =	simm.s32 $0x108;
	s8 =	sld [smem:$0x3FB3]  }
0x2e: {  	s3 =	simm.s32 @!p0 $0x1082;
	s9 =	sld [smem:$0x3FB4]  }
0x2f: {  	lr =	sadd.s32 s0, s3;
	s0 =	sld [smem:$0x3FAB]  }
0x30: {  	s3 =	sld [smem:$0x3FAE]  }
0x31: {  	[smem:$0x3FB7] =	sst s10  }
0x32: {  	s10 =	sld [smem:$0x3FB5];
	_ =	sdelay $0x3  }
0x33: {  	p0 =	seq.s32 s10, $0x1;
	s10 =	sld [smem:$0x3FB7];
	_ =	sdelay $0x3  }
0x34: {  	[smem:$0x3FB7] =	sst s10  }
0x35: {  	s10 =	sld [smem:$0x3FB6];
	_ =	sdelay $0x3  }
0x36: {  	p1 =	seq.s32 s10, $0x1;
	s10 =	sld [smem:$0x3FB7];
	_ =	sdelay $0x3  }
0x37: {  	[smem:$0x3FB7] =	sst s10  }
0x38: {  	s10 =	sld [smem:$0x3FB8]  }
0x39: {  	_ = 	snop;
	(pc) =	sbr.ind lr, $3  }
0x3a: {  	_ = 	snop  }
0x3b: {  	_ = 	snop  }
0x3c: {  	p2 =	seq.s32 s10, $0x1;
	s10 =	sld [smem:$0x3FB7]  }
0x3d: {  	_ =	shalt  }
0x3e: {  	_ =	shalt  }
0x3f: {  	_ =	shalt  }
0x40: {  	_ =	shalt  }
0x41: {  	_ =	shalt  }
0x42: {  	_ =	shalt  }
0x43: {  	_ =	shalt  }
0x44: {  	_ =	shalt  }
0x45: {  	_ =	shalt  }
0x46: {  	_ =	shalt  }
0x47: {  	_ =	shalt  }
0x48: {  	_ =	shalt  }
0x49: {  	_ =	shalt  }
0x4a: {  	_ =	shalt  }
0x4b: {  	_ =	shalt  }
0x4c: {  	_ =	shalt  }
0x4d: {  	_ =	shalt  }
0x4e: {  	_ =	shalt  }
0x4f: {  	_ =	shalt  }
0x50: {  	_ =	shalt  }
0x51: {  	_ =	shalt  }
0x52: {  	_ =	shalt  }
0x53: {  	_ =	shalt  }
0x54: {  	_ =	shalt  }
0x55: {  	_ =	shalt  }
0x56: {  	_ =	shalt  }
0x57: {  	_ =	shalt  }
0x58: {  	_ =	shalt  }
0x59: {  	_ =	shalt  }
0x5a: {  	_ =	shalt  }
0x5b: {  	_ =	shalt  }
0x5c: {  	_ =	shalt  }
0x5d: {  	_ =	shalt  }
0x5e: {  	_ =	shalt  }
0x5f: {  	_ =	shalt  }
0x60: {  	_ =	shalt  }
0x61: {  	_ =	shalt  }
0x62: {  	_ =	shalt  }
0x63: {  	_ =	shalt  }
0x64: {  	_ =	shalt  }
0x65: {  	_ =	shalt  }
0x66: {  	_ =	shalt  }
0x67: {  	_ =	shalt  }
0x68: {  	_ =	shalt  }
0x69: {  	_ =	shalt  }
0x6a: {  	_ =	shalt  }
0x6b: {  	_ =	shalt  }
0x6c: {  	_ =	shalt  }
0x6d: {  	_ =	shalt  }
0x6e: {  	_ =	shalt  }
0x6f: {  	_ =	shalt  }
0x70: {  	_ =	shalt  }
0x71: {  	_ =	shalt  }
0x72: {  	_ =	shalt  }
0x73: {  	_ =	shalt  }
0x74: {  	_ =	shalt  }
0x75: {  	_ =	shalt  }
0x76: {  	_ =	shalt  }
0x77: {  	_ =	shalt  }
0x78: {  	_ =	shalt  }
0x79: {  	_ =	shalt  }
0x7a: {  	_ =	shalt  }
0x7b: {  	_ =	shalt  }
0x7c: {  	_ =	shalt  }
0x7d: {  	_ =	shalt  }
0x7e: {  	_ =	shalt  }
0x7f: {  	_ =	shalt  }
0x80: {  	_ =	shalt  }
0x81: {  	_ =	shalt  }
0x82: {  	_ =	shalt  }
0x83: {  	_ =	shalt  }
0x84: {  	_ =	shalt  }
0x85: {  	_ =	shalt  }
0x86: {  	_ =	shalt  }
0x87: {  	_ =	shalt  }
.Lfunc_end0:
.L_simem_size_0:
called_computation_lowered:
.L_overlay_start_0:
0x88: {  	s2 =	sld [smem:$0x3FD9]  }
0x89: {  	s3 =	sld [smem:$0x3FFE];
	_ =	sdelay $0x1  }
0x8a: {  	s1 =	srdreg.scid  }
0x8b: {  	s0 =	sand.u32 $0x1, s1  }
0x8c: {  	s16 =	sshll.u32 s0, $0xA;
	s2 =	sadd.s32 s3, s2  }
0x8d: {  	s2 =	sadd.s32 s2, s16  }
0x8e: {  	[smem:$0x3FC3] =	sst s2  }
0x8f: {  	_ = 	snop  }
0x90: {  	(tm) =	ssettm $0x1  }
0x91: {  	s17 =	sld [smem:$0x3FFB];
	_ =	sdelay $0x3  }
0x92: {  	_ =	strace s17  }
0x93: {  	s2 =	sld [smem:$0x3FFC];
	_ =	sdelay $0x3  }
0x94: {  	_ =	strace s2  }
0x95: {  	s2 =	sld [smem:$0x3FFD];
	_ =	sdelay $0x3  }
0x96: {  	_ =	strace s2  }
0x97: {  	_ =	strace $0x8FFFFFFF  }
0x98: {  	s18 =	sld [smem:$0x3FDB];
	_ =	sdelay $0x1  }
0x99: {  	s19 =	simm.s32 $_scs_section_size  }
0x9a: {  	s4 =	simm.s32 $_size__tile_overlayer_lowered;
	s5 =	simm.s32 $_tile_overlayer_lowered  }
0x9b: {  	s22 =	simm.s32 $0x1BFF;
	s21 =	sshll.u32 s5, $0x1;
	s2 =	sadd.s32 s19, s18  }
0x9c: {  	s6 =	simm.s32 $0x0;
	s20 =	sshll.u32 s4, $0x1;
	s4 =	sadd.s32 s21, s2  }
0x9d: {  	[timem:s6], [sflag:s22] =	dma.local [hbm:s4], s20  }
0x9e: {  	_ =	swait.ge [sflag:s22], s20  }
0x9f: {  	s3 =	ssub.s32 $0x0, s20;
	[sflag:s22] =	ssyncset.done $0x0  }
0xa0: {  	[sflag:s22] =	ssyncadd.s32 s3;
	_ =	sdelay $0x1  }
0xa1: {  	s23 =	simm.s32 $0x1B8B  }
0xa2: {  	_ =	swait.ge [sflag:s23], $0x1  }
0xa3: {  	[sflag:s23] =	ssyncset.done $0x0  }
0xa4: {  	s25 =	simm.s32 $0x1B8E;
	s24 =	sld [smem:$0x3FFE];
	[sflag:s23] =	ssyncadd.s32 $0xFFFFFFFF  }
0xa5: {  	s26 =	simm.s32 $execute0_lowered;
	[smem:$0x3FD2] =	sst s25  }
0xa6: {  	s4 =	sshll.u32 s26, $0x1;
	_ =	strace $0x80000046;
	[dreg:$0x1] =	wrdreg $0xFFFFFFFF  }
0xa7: {  	s28 =	simm.s32 $_size_execute0_lowered;
	s2 =	sadd.s32 s2, s4;
	[dreg:$0x0] =	wrdreg $0x0  }
0xa8: {  	s4 =	sshll.u32 s28, $0x1;
	[dreg:$0x2] =	wrdreg s2  }
0xa9: {  	[dreg:$0x3] =	wrdreg s4  }
0xaa: {  	[dreg:$0x4] =	wrdreg $0xC0  }
0xab: {  	_ =	task [dreg:s6], $0x5FFFF  }
0xac: {  	[dreg:$0x1] =	wrdreg $0xFFFFFFFF  }
0xad: {  	[dreg:$0x0] =	wrdreg $0x60  }
0xae: {  	[dreg:$0x2] =	wrdreg s24  }
0xaf: {  	[dreg:$0x3] =	wrdreg $0x68000  }
0xb0: {  	[dreg:$0x4] =	wrdreg $0x9  }
0xb1: {  	_ =	task.clear_ibuf [dreg:s6], $0x5FFFF;
	_ =	strace $0x90000046  }
0xb2: {  	s29 =	simm.s32 $0x9;
	_ =	strace $0x80000048  }
0xb3: {  	_ =	swait.ge [sflag:s29], $0x1  }
0xb4: {  	[sflag:s29] =	ssyncadd.s32 $0xFFFFFFFF  }
0xb5: {  	_ =	strace $0x90000048  }
0xb6: {  	_ =	sfence  }
0xb7: {  	s30 =	sld [smem:$0x0];
	_ =	sdelay $0x2  }
0xb8: {  	s31 =	sshll.u32 s1, $0xD;
	s1 =	sshrl.u32 s1, $0x2  }
0xb9: {  	s3 =	sand.u32 $0x4000, s31;
	s1 =	sadd.s32 s1, s30  }
0xba: {  	s0 =	sor.u32 s3, s0;
	s1 =	sshll.u32 s1, $0x11  }
0xbb: {  	s0 =	sor.u32 s1, s0  }
0xbc: {  	s0 =	sadd.s32 $0x8F2B, s0  }
0xbd: {  	[sflag:s0] =	ssyncadd.remote.s32 $0x1  }
0xbe: {  	_ =	sfence.sel $0xFFFF  }
0xbf: {  	[dreg:$0x0] =	wrdreg $0xFFFFFFFF;
	(pc) =	sbr.abs _section_cstart, $3  }
0xc0: {  	[dreg:$0x1] =	wrdreg $0xFFFFFFFF  }
0xc1: {  	_ =	task.clear_ibuf [dreg:s6], $0x2FFFF;
	_ =	strace $0x9FFFFFFF  }
0xc2: {  	(tm) =	ssettm $0x7FFFFFFF  }
0xc3: {  	_ =	shalt  }
tec
execute0_lowered:
.L_overlay_start_1:
0x0: {  	(tag) =	ssettag $0x1  }
0x1: {  	s7 =	rddreg [dreg:$0x0]  }
0x2: {  	s0 =	srdreg.scid;
	s2 =	rddreg [dreg:$0x1]  }
0x3: {  	s3 =	simm.s32 $0x0;
	s12 =	simm.s32 $0x2800;
	s6 =	sand.u32 $0x1, s0  }
0x4: {  	s13 =	simm.s32 $0x80;
	s0 =	stileid.u32;
	s5 =	smul.u32 $0x140000, s6  }
0x5: {  	s14 =	simm.s32 $0x0;
	[smem:$0x7FF] =	sst s3;
	s8 =	smul.u32 $0x14000, s0  }
0x6: {  	s1 =	sshll.u32 s6, $0x4;
	s10 =	smul.u32 $0x50000, s0;
	s6 =	ssub.s32 $0x2, s6  }
0x7: {  	s31 =	sshll.u32 s0, $0x6;
	s1 =	sor.u32 s0, s1;
	s30 =	sshrl.u32 s6, $0x1  }
0x8: {  	s4 =	smul.u32 $0x500, s1;
	s1 =	rddreg [dreg:$0x2];
	_ =	strace $0x80000047  }
0x9: {  	s8 =	sadd.s32 s8, s5;
	s5 =	sadd.s32 $0xCA00, s7;
	s10 =	sshrl.u32 s10, $0x2  }
0xa: {  	s11 =	ssub.s32 s6, s30;
	s6 =	sor.u32 $0x1C01, s31;
	s8 =	sshrl.u32 s8, $0x3  }
0xb: {  	s10 =	sadd.s32 s10, s2;
	s9 =	sadd.s32 s4, s7;
	s4 =	sadd.s32 $0xF200, s7  }
0xc: {  	s8 =	sadd.s32 s8, s7;
	s10 =	sshrl.u32 s10, $0x3;
	s7 =	sadd.s32 $0x2A00, s9  }
0xd: {  	s8 =	sadd.s32 $0xFA00, s8;
	s9 =	smax.u32 s11, $0x1;
	s11 =	simm.s32 $0x1  }
.LBB2_1:
0xe: {  	[spmem:s10], [sflag:s6] =	dma.local [hbm:s5], $0x2800  }
0xf: {  	_ =	swait.ge [sflag:s11], $0x2800  }
0x10: {  	[sflag:s11] =	ssyncset.done $0x0  }
0x11: {  	[sflag:s11] =	ssyncadd.s32 $0xFFFFD800  }
0x12: {  	[tilespmem:s12], [sflag:$0x1] =	stream.linear.gather [hbm4b:s4+s3], $0x4000, $0x38;
	[tilespmem:$0x1A800] =	vst v63  }
0x13: {  	_ =	swait.ge [sflag:s11], $0x4000  }
0x14: {  	[sflag:s11] =	ssyncset.done $0x0  }
0x15: {  	[sflag:s11] =	ssyncadd.s32 $0xFFFFC000  }
0x16: {  	[tilespmem:s3], [sflag:$0x1] =	stream.linear.gather [hbm4b:s7+s3], $0x2800, $0x38;
	[tilespmem:$0x1A800] =	vst v63  }
0x17: {  	_ =	swait.ge [sflag:s11], $0x2800  }
0x18: {  	[sflag:s11] =	ssyncset.done $0x0  }
0x19: {  	[sflag:s11] =	ssyncadd.s32 $0xFFFFD800  }
0x1a: {  	s15 =	simm.s32 $0x0;
	[bflag:$0x0] =	sbarrier.arrive $0xFFFF  }
0x1b: {  	[spmem:s2] =	stream.indirect.scatter.add.f32 [tilespmem:s12], [sflag:$0x1], $0x80, s15, s13, $0xb8;
	[tilespmem:$0x1A800] =	vst v63  }
0x1c: {  	_ =	swait.ge [sflag:s11], $0x4000  }
0x1d: {  	s15 =	simm.s32 $0x200;
	[sflag:s11] =	ssyncset.done $0x0  }
.LBB2_2:
0x1e: {  	s16 =	sshra.s32 s15, $0x2;
	[sflag:s11] =	ssyncadd.s32 $0xFFFFC000;
	p0 =	sne.s32 s15, $0x9E00  }
0x1f: {  	[spmem:s2] =	stream.indirect.scatter.add.f32 [tilespmem:s12], [sflag:$0x1], $0x80, s16, s13, $0xb8;
	[tilespmem:$0x1A800] =	vst v63  }
.Ltmp0:
0x20: {  	_ = 	snop;
	(pc) =	sbr.rel @p0 .LBB2_2-.Ltmp0, $4  }
0x21: {  	_ = 	snop  }
0x22: {  	s15 =	sadd.s32 $0x200, s15  }
0x23: {  	_ =	swait.ge [sflag:s11], $0x4000  }
0x24: {  	[sflag:s11] =	ssyncset.done $0x0  }
0x25: {  	s14 =	sadd.s32 $0x1, s14  }
0x26: {  	[sflag:s11] =	ssyncadd.s32 $0xFFFFC000;
	p0 =	sne.s32 s14, s9  }
.Ltmp1:
0x27: {  	[bflag:$0x0] =	sbarrier.arrive $0xFFFF;
	(pc) =	sbr.rel @p0 .LBB2_1-.Ltmp1, $4  }
0x28: {  	[hbm:s8], [sflag:s6] =	dma.local [spmem:s10], $0x2800  }
0x29: {  	_ =	swait.ge [sflag:s11], $0x2800  }
0x2a: {  	[sflag:s11] =	ssyncset.done $0x0  }
0x2b: {  	[sflag:s11] =	ssyncadd.s32 $0xFFFFD800  }
0x2c: {  	_ =	sfence.sel $0x180000  }
0x2d: {  	[bflag:$0x0] =	sbarrier.arrive $0xFFFF  }
0x2e: {  	p0 =	sne.s32 s0, $0x0;
	_ =	strace $0x90000047  }
0x2f: {  	s0 =	sadd.s32 @!p0 $0x100000, s1;
	[bflag:$0x2] =	sbarrier.arrive $0xFFFF  }
0x30: {  	[sflag:s0] =	ssyncadd.tile.s32 @!p0 $0x1;
	_ =	shalt  }
.Lfunc_end2:
_tile_overlayer_lowered:
.L_overlay_start_2:
0x31: {  	(tag) =	ssettag $0x2  }
0x32: {  	s0 =	rddreg [dreg:$0x0];
	s2 =	stileid.u32  }
0x33: {  	s1 =	rddreg [dreg:$0x1];
	p0 =	sne.s32 s2, $0x0  }
0x34: {  	s3 =	rddreg [dreg:$0x2];
	[bflag:$0x3] =	sbarrier.arrive $0xFFFF;
	s2 =	simm.s32 @!p0 $0x1C01  }
0x35: {  	[timem:s3], [sflag:s2] =	dma.local @!p0 [hbm:s0], s1  }
0x36: {  	s0 =	simm.s32 @!p0 $0x1  }
0x37: {  	_ =	swait.ge @!p0 [sflag:s0], s1  }
0x38: {  	s1 =	ssub.s32 @!p0 $0x0, s1;
	[sflag:s0] =	ssyncset.done @!p0 $0x0  }
0x39: {  	[sflag:s0] =	ssyncadd.s32 @!p0 s1  }
0x3a: {  	[bflag:$0x3] =	sbarrier.arrive $0xFFFF  }
0x3b: {  	_ =	shalt  }

// kernel: kernel.15.cloned.1.call-start
scs
__scs_entry_jumppad:
0x0: {  	(pc) =	sbr.rel $0x88, $3  }
0x1: {  	(tag) =	ssettag $0x0;
	lr =	simm.s32 $0x1  }
0x2: {  	[smem:$0x3F9C] =	sst lr;
	_ =	strace $0xD0000000  }
0x3: {  	_ = 	snop  }
0x4: {  	_ = 	snop  }
0x5: {  	_ = 	snop  }
0x6: {  	_ = 	snop  }
0x7: {  	_ = 	snop  }
__scs_overlays_trampoline_lowered:
0x8: {  	[smem:$0x3FAB] =	sst s0  }
0x9: {  	[smem:$0x3FAC] =	sst s1  }
0xa: {  	[smem:$0x3FAD] =	sst s2  }
0xb: {  	[smem:$0x3FAE] =	sst s3  }
0xc: {  	[smem:$0x3FAF] =	sst s4  }
0xd: {  	[smem:$0x3FB0] =	sst s5  }
0xe: {  	[smem:$0x3FB1] =	sst s6  }
0xf: {  	[smem:$0x3FB2] =	sst s7  }
0x10: {  	[smem:$0x3FB3] =	sst s8  }
0x11: {  	[smem:$0x3FB4] =	sst s9;
	s0 =	simm.s32 @!p0 $0x0  }
0x12: {  	s1 =	sld [smem:$0x3F9A];
	s0 =	simm.s32 @p0 $0x1  }
0x13: {  	[smem:$0x3FB5] =	sst s0;
	s0 =	simm.s32 @!p1 $0x0  }
0x14: {  	s2 =	sld [smem:$0x3F99];
	s0 =	simm.s32 @p1 $0x1  }
0x15: {  	[smem:$0x3FB6] =	sst s0;
	s0 =	simm.s32 @!p2 $0x0  }
0x16: {  	s3 =	sld [smem:$0x3FDB];
	s0 =	simm.s32 @p2 $0x1  }
0x17: {  	s4 =	simm.s32 $0x1BF5;
	[smem:$0x3FB8] =	sst s0  }
0x18: {  	s0 =	sld [smem:$0x3F9B];
	_ =	swait.ge [sflag:s4], $0x0  }
0x19: {  	s7 =	sld [smem:$0x3F9C]  }
0x1a: {  	s8 =	sadd.s32 $0xFFFFE003, lr  }
0x1b: {  	s9 =	sadd.s32 $0xFFFFFEF7, lr;
	s5 =	simm.s32 $0xFFFFFFFF;
	p2 =	slt.u32 s8, $0xFFFFF086  }
0x1c: {  	p1 =	slt.u32 s9, $0xF7A;
	s5 =	simm.s32 @!p2 $0x0  }
0x1d: {  	s5 =	simm.s32 @p1 $0x1;
	p0 =	seq.s32 s7, s2  }
0x1e: {  	s7 =	smul.u32 @!p0 $0xF7A, s2;
	p2 =	seq.s32 @!p0 s5, $0x0  }
0x1f: {  	s9 =	smul.u32 $0xF7A, s1;
	s8 =	simm.s32 @!p0 $0x1BF5;
	p2 =	por !p2, p0  }
0x20: {  	[sflag:s8] =	ssyncset.s32 @!p0 $0xFFFFF086;
	s6 =	sadd.s32 @!p0 s3, s7;
	s7 =	simm.s32 @!p0 $0x108  }
0x21: {  	s3 =	sadd.s32 s3, s9;
	s6 =	sadd.s32 @!p0 $0x88, s6;
	s7 =	simm.s32 @p2 $0x1082  }
0x22: {  	[simem:s7], [sflag:s8] =	dma.local @!p0 [hbm:s6], $0xF7A  }
0x23: {  	s9 =	sor.u32 $0xD0000000, s2;
	s6 =	simm.s32 $0x108;
	_ =	swait.ge @!p0 [sflag:s8], $0x0  }
0x24: {  	s3 =	sadd.s32 $0x88, s3;
	s6 =	simm.s32 @!p1 $0x1082;
	[sflag:s4] =	ssyncset.s32 $0xFFFFF086  }
0x25: {  	[simem:s6], [sflag:s4] =	dma.local [hbm:s3], $0xF7A  }
0x26: {  	[smem:$0x3F9C] =	sst s1;
	(tag) =	ssettag s2;
	_ =	strace s9  }
0x27: {  	s1 =	sld [smem:$0x3FAC]  }
0x28: {  	s2 =	sld [smem:$0x3FAD]  }
0x29: {  	s4 =	sld [smem:$0x3FAF]  }
0x2a: {  	p0 =	seq.s32 s5, $0x0;
	s5 =	sld [smem:$0x3FB0]  }
0x2b: {  	s6 =	sld [smem:$0x3FB1]  }
0x2c: {  	s7 =	sld [smem:$0x3FB2]  }
0x2d: {  	s3 =	simm.s32 $0x108;
	s8 =	sld [smem:$0x3FB3]  }
0x2e: {  	s3 =	simm.s32 @!p0 $0x1082;
	s9 =	sld [smem:$0x3FB4]  }
0x2f: {  	lr =	sadd.s32 s0, s3;
	s0 =	sld [smem:$0x3FAB]  }
0x30: {  	s3 =	sld [smem:$0x3FAE]  }
0x31: {  	[smem:$0x3FB7] =	sst s10  }
0x32: {  	s10 =	sld [smem:$0x3FB5];
	_ =	sdelay $0x3  }
0x33: {  	p0 =	seq.s32 s10, $0x1;
	s10 =	sld [smem:$0x3FB7];
	_ =	sdelay $0x3  }
0x34: {  	[smem:$0x3FB7] =	sst s10  }
0x35: {  	s10 =	sld [smem:$0x3FB6];
	_ =	sdelay $0x3  }
0x36: {  	p1 =	seq.s32 s10, $0x1;
	s10 =	sld [smem:$0x3FB7];
	_ =	sdelay $0x3  }
0x37: {  	[smem:$0x3FB7] =	sst s10  }
0x38: {  	s10 =	sld [smem:$0x3FB8]  }
0x39: {  	_ = 	snop;
	(pc) =	sbr.ind lr, $3  }
0x3a: {  	_ = 	snop  }
0x3b: {  	_ = 	snop  }
0x3c: {  	p2 =	seq.s32 s10, $0x1;
	s10 =	sld [smem:$0x3FB7]  }
0x3d: {  	_ =	shalt  }
0x3e: {  	_ =	shalt  }
0x3f: {  	_ =	shalt  }
0x40: {  	_ =	shalt  }
0x41: {  	_ =	shalt  }
0x42: {  	_ =	shalt  }
0x43: {  	_ =	shalt  }
0x44: {  	_ =	shalt  }
0x45: {  	_ =	shalt  }
0x46: {  	_ =	shalt  }
0x47: {  	_ =	shalt  }
0x48: {  	_ =	shalt  }
0x49: {  	_ =	shalt  }
0x4a: {  	_ =	shalt  }
0x4b: {  	_ =	shalt  }
0x4c: {  	_ =	shalt  }
0x4d: {  	_ =	shalt  }
0x4e: {  	_ =	shalt  }
0x4f: {  	_ =	shalt  }
0x50: {  	_ =	shalt  }
0x51: {  	_ =	shalt  }
0x52: {  	_ =	shalt  }
0x53: {  	_ =	shalt  }
0x54: {  	_ =	shalt  }
0x55: {  	_ =	shalt  }
0x56: {  	_ =	shalt  }
0x57: {  	_ =	shalt  }
0x58: {  	_ =	shalt  }
0x59: {  	_ =	shalt  }
0x5a: {  	_ =	shalt  }
0x5b: {  	_ =	shalt  }
0x5c: {  	_ =	shalt  }
0x5d: {  	_ =	shalt  }
0x5e: {  	_ =	shalt  }
0x5f: {  	_ =	shalt  }
0x60: {  	_ =	shalt  }
0x61: {  	_ =	shalt  }
0x62: {  	_ =	shalt  }
0x63: {  	_ =	shalt  }
0x64: {  	_ =	shalt  }
0x65: {  	_ =	shalt  }
0x66: {  	_ =	shalt  }
0x67: {  	_ =	shalt  }
0x68: {  	_ =	shalt  }
0x69: {  	_ =	shalt  }
0x6a: {  	_ =	shalt  }
0x6b: {  	_ =	shalt  }
0x6c: {  	_ =	shalt  }
0x6d: {  	_ =	shalt  }
0x6e: {  	_ =	shalt  }
0x6f: {  	_ =	shalt  }
0x70: {  	_ =	shalt  }
0x71: {  	_ =	shalt  }
0x72: {  	_ =	shalt  }
0x73: {  	_ =	shalt  }
0x74: {  	_ =	shalt  }
0x75: {  	_ =	shalt  }
0x76: {  	_ =	shalt  }
0x77: {  	_ =	shalt  }
0x78: {  	_ =	shalt  }
0x79: {  	_ =	shalt  }
0x7a: {  	_ =	shalt  }
0x7b: {  	_ =	shalt  }
0x7c: {  	_ =	shalt  }
0x7d: {  	_ =	shalt  }
0x7e: {  	_ =	shalt  }
0x7f: {  	_ =	shalt  }
0x80: {  	_ =	shalt  }
0x81: {  	_ =	shalt  }
0x82: {  	_ =	shalt  }
0x83: {  	_ =	shalt  }
0x84: {  	_ =	shalt  }
0x85: {  	_ =	shalt  }
0x86: {  	_ =	shalt  }
0x87: {  	_ =	shalt  }
.Lfunc_end0:
.L_simem_size_0:
called_computation.1_lowered:
.L_overlay_start_0:
0x88: {  	s2 =	sld [smem:$0x3FD9]  }
0x89: {  	s3 =	sld [smem:$0x3FFE];
	_ =	sdelay $0x1  }
0x8a: {  	s1 =	srdreg.scid  }
0x8b: {  	s0 =	sand.u32 $0x1, s1  }
0x8c: {  	s17 =	sshll.u32 s0, $0xA;
	s2 =	sadd.s32 s3, s2  }
0x8d: {  	s2 =	sadd.s32 s2, s17  }
0x8e: {  	[smem:$0x3FC3] =	sst s2  }
0x8f: {  	_ = 	snop  }
0x90: {  	s18 =	sld [smem:$0x3FD0];
	(tm) =	ssettm $0x1  }
0x91: {  	s19 =	sld [smem:$0x3FFB];
	_ =	sdelay $0x3  }
0x92: {  	_ =	strace s19  }
0x93: {  	s2 =	sld [smem:$0x3FFC];
	_ =	sdelay $0x3  }
0x94: {  	_ =	strace s2  }
0x95: {  	s2 =	sld [smem:$0x3FFD];
	_ =	sdelay $0x3  }
0x96: {  	_ =	strace s2  }
0x97: {  	_ =	strace $0x8FFFFFFF  }
0x98: {  	s20 =	sld [smem:$0x3FDB];
	_ =	sdelay $0x1  }
0x99: {  	s4 =	simm.s32 $_scs_section_size  }
0x9a: {  	s5 =	simm.s32 $_size__tile_overlayer_lowered;
	s6 =	simm.s32 $_tile_overlayer_lowered  }
0x9b: {  	s7 =	simm.s32 $0x1BFF;
	s21 =	sshll.u32 s6, $0x1;
	s4 =	sadd.s32 s4, s20  }
0x9c: {  	s22 =	simm.s32 $0x0;
	s5 =	sshll.u32 s5, $0x1;
	s6 =	sadd.s32 s21, s4  }
0x9d: {  	[timem:s22], [sflag:s7] =	dma.local [hbm:s6], s5  }
0x9e: {  	_ =	swait.ge [sflag:s7], s5  }
0x9f: {  	s5 =	ssub.s32 $0x0, s5;
	[sflag:s7] =	ssyncset.done $0x0  }
0xa0: {  	[sflag:s7] =	ssyncadd.s32 s5;
	_ =	sdelay $0x1  }
0xa1: {  	s23 =	simm.s32 $0x1B8B  }
0xa2: {  	_ =	swait.ge [sflag:s23], $0x1  }
0xa3: {  	[sflag:s23] =	ssyncset.done $0x0  }
0xa4: {  	[sflag:s23] =	ssyncadd.s32 $0xFFFFFFFF  }
0xa5: {  	s5 =	sld [smem:$0x0]  }
0xa6: {  	s6 =	sand.u32 $0xFFFFFFFE, s1  }
0xa7: {  	p0 =	sne.s32 s1, s6  }
0xa8: {  	s6 =	sshll.u32 @p0 s6, $0xE  }
0xa9: {  	s6 =	sadd.s32 @p0 $0x11B8D, s6;
	s7 =	sshll.u32 @p0 s5, $0x11  }
0xaa: {  	s6 =	sor.u32 @p0 s7, s6  }
0xab: {  	[sflag:s6] =	ssyncadd.remote.s32 @p0 $0x1;
	_ =	sdelay $0x1  }
0xac: {  	s6 =	simm.s32 @p0 $0x1B8D  }
0xad: {  	_ =	swait.eq @p0 [sflag:s6], $0x1  }
0xae: {  	[sflag:s6] =	ssyncadd.s32 @p0 $0xFFFFFFFF  }
0xaf: {  	s7 =	sshll.u32 @!p0 s1, $0xE  }
0xb0: {  	s7 =	sor.u32 @!p0 $0x4000, s7;
	s6 =	simm.s32 @!p0 $0x1B8D  }
0xb1: {  	s5 =	sshll.u32 @!p0 s5, $0x11;
	s7 =	sadd.s32 @!p0 $0x11B8D, s7;
	_ =	swait.eq @!p0 [sflag:s6], $0x1  }
0xb2: {  	s5 =	sor.u32 @!p0 s5, s7;
	[sflag:s6] =	ssyncadd.s32 @!p0 $0xFFFFFFFF  }
0xb3: {  	s25 =	simm.s32 $0x1B8E;
	s24 =	sld [smem:$0x3FFE];
	[sflag:s5] =	ssyncadd.remote.s32 @!p0 $0x1  }
0xb4: {  	s26 =	simm.s32 $execute0_lowered;
	[smem:$0x3FD2] =	sst s25  }
0xb5: {  	s6 =	sshll.u32 s26, $0x1;
	_ =	strace $0x80000049;
	[dreg:$0x1] =	wrdreg $0xFFFFFFFF  }
0xb6: {  	s28 =	simm.s32 $_size_execute0_lowered;
	s4 =	sadd.s32 s4, s6;
	[dreg:$0x0] =	wrdreg $0x0  }
0xb7: {  	s6 =	sshll.u32 s28, $0x1;
	[dreg:$0x2] =	wrdreg s4  }
0xb8: {  	[dreg:$0x3] =	wrdreg s6  }
0xb9: {  	[dreg:$0x4] =	wrdreg $0xC0  }
0xba: {  	_ =	task [dreg:s22], $0x5FFFF  }
0xbb: {  	[dreg:$0x1] =	wrdreg $0xFFFFFFFF  }
0xbc: {  	[dreg:$0x0] =	wrdreg $0x60  }
0xbd: {  	[dreg:$0x2] =	wrdreg s18  }
0xbe: {  	[dreg:$0x3] =	wrdreg s24  }
0xbf: {  	[dreg:$0x4] =	wrdreg $0x68000  }
0xc0: {  	[dreg:$0x5] =	wrdreg $0xA  }
0xc1: {  	_ =	task.clear_ibuf [dreg:s22], $0x6FFFF;
	_ =	strace $0x90000049  }
0xc2: {  	s29 =	simm.s32 $0xA;
	_ =	strace $0x8000004B  }
0xc3: {  	_ =	swait.ge [sflag:s29], $0x1  }
0xc4: {  	[sflag:s29] =	ssyncadd.s32 $0xFFFFFFFF  }
0xc5: {  	_ =	strace $0x9000004B  }
0xc6: {  	_ =	sfence  }
0xc7: {  	s30 =	sld [smem:$0x0];
	_ =	sdelay $0x2  }
0xc8: {  	s31 =	sshll.u32 s1, $0xD;
	s1 =	sshrl.u32 s1, $0x2  }
0xc9: {  	s4 =	sand.u32 $0x4000, s31;
	s1 =	sadd.s32 s1, s30  }
0xca: {  	s0 =	sor.u32 s4, s0;
	s1 =	sshll.u32 s1, $0x11  }
0xcb: {  	s0 =	sor.u32 s1, s0  }
0xcc: {  	s0 =	sadd.s32 $0x8F2B, s0  }
0xcd: {  	[sflag:s0] =	ssyncadd.remote.s32 $0x1  }
0xce: {  	_ =	sfence.sel $0xFFFF  }
0xcf: {  	[dreg:$0x0] =	wrdreg $0xFFFFFFFF;
	(pc) =	sbr.abs _section_cstart, $3  }
0xd0: {  	[dreg:$0x1] =	wrdreg $0xFFFFFFFF  }
0xd1: {  	_ =	task.clear_ibuf [dreg:s22], $0x2FFFF;
	_ =	strace $0x9FFFFFFF  }
0xd2: {  	(tm) =	ssettm $0x7FFFFFFF  }
0xd3: {  	_ =	shalt  }
tec
execute0_lowered:
.L_overlay_start_1:
0x0: {  	(tag) =	ssettag $0x1  }
0x1: {  	s7 =	rddreg [dreg:$0x0]  }
0x2: {  	s6 =	rddreg [dreg:$0x1]  }
0x3: {  	s1 =	rddreg [dreg:$0x2]  }
0x4: {  	s2 =	srdreg.scid;
	s0 =	rddreg [dreg:$0x3];
	s3 =	simm.s32 $0x0  }
0x5: {  	s12 =	simm.s32 $0x2800;
	s13 =	simm.s32 $0x80;
	s8 =	sand.u32 $0x1, s2  }
0x6: {  	s14 =	simm.s32 $0x0;
	s2 =	stileid.u32;
	s9 =	smul.u32 $0x140000, s8  }
0x7: {  	[smem:$0x7FF] =	sst s3;
	s4 =	sadd.s32 $0xF200, s6;
	s10 =	smul.u32 $0x14000, s2  }
0x8: {  	s5 =	sadd.s32 $0xCA00, s6;
	_ =	strace $0x8000004A;
	s26 =	smul.u32 $0x50000, s2  }
0x9: {  	s11 =	sshll.u32 s8, $0x4;
	s28 =	ssub.s32 $0x2, s8;
	s31 =	sshll.u32 s2, $0x6  }
0xa: {  	s29 =	sor.u32 s2, s11;
	s30 =	sshrl.u32 s28, $0x1;
	s9 =	sadd.s32 s10, s9  }
0xb: {  	s10 =	sshrl.u32 s26, $0x2;
	s8 =	smul.u32 $0x500, s29;
	s9 =	sshrl.u32 s9, $0x3  }
0xc: {  	s11 =	ssub.s32 s28, s30;
	s10 =	sadd.s32 s10, s1;
	s9 =	sadd.s32 s9, s6  }
0xd: {  	s6 =	sor.u32 $0x1C01, s31;
	s7 =	sadd.s32 s7, s8;
	s10 =	sshrl.u32 s10, $0x3  }
0xe: {  	s8 =	sadd.s32 $0x5FA00, s9;
	s9 =	smax.u32 s11, $0x1;
	s11 =	simm.s32 $0x1  }
.LBB2_1:
0xf: {  	[spmem:s10], [sflag:s6] =	dma.local [hbm:s5], $0x2800  }
0x10: {  	_ =	swait.ge [sflag:s11], $0x2800  }
0x11: {  	[sflag:s11] =	ssyncset.done $0x0  }
0x12: {  	[sflag:s11] =	ssyncadd.s32 $0xFFFFD800  }
0x13: {  	[tilespmem:s12], [sflag:$0x1] =	stream.linear.gather [hbm4b:s4+s3], $0x4000, $0x38;
	[tilespmem:$0x1A800] =	vst v63  }
0x14: {  	_ =	swait.ge [sflag:s11], $0x4000  }
0x15: {  	[sflag:s11] =	ssyncset.done $0x0  }
0x16: {  	[sflag:s11] =	ssyncadd.s32 $0xFFFFC000  }
0x17: {  	[tilespmem:s3], [sflag:$0x1] =	stream.linear.gather [hbm4b:s7+s3], $0x2800, $0x38;
	[tilespmem:$0x1A800] =	vst v63  }
0x18: {  	_ =	swait.ge [sflag:s11], $0x2800  }
0x19: {  	[sflag:s11] =	ssyncset.done $0x0  }
0x1a: {  	[sflag:s11] =	ssyncadd.s32 $0xFFFFD800  }
0x1b: {  	s15 =	simm.s32 $0x0;
	[bflag:$0x0] =	sbarrier.arrive $0xFFFF  }
0x1c: {  	[spmem:s1] =	stream.indirect.scatter.add.f32 [tilespmem:s12], [sflag:$0x1], $0x80, s15, s13, $0xb8;
	[tilespmem:$0x1A800] =	vst v63  }
0x1d: {  	_ =	swait.ge [sflag:s11], $0x4000  }
0x1e: {  	s15 =	simm.s32 $0x200;
	[sflag:s11] =	ssyncset.done $0x0  }
.LBB2_2:
0x1f: {  	s16 =	sshra.s32 s15, $0x2;
	[sflag:s11] =	ssyncadd.s32 $0xFFFFC000;
	p0 =	sne.s32 s15, $0x9E00  }
0x20: {  	[spmem:s1] =	stream.indirect.scatter.add.f32 [tilespmem:s12], [sflag:$0x1], $0x80, s16, s13, $0xb8;
	[tilespmem:$0x1A800] =	vst v63  }
.Ltmp0:
0x21: {  	_ = 	snop;
	(pc) =	sbr.rel @p0 .LBB2_2-.Ltmp0, $4  }
0x22: {  	_ = 	snop  }
0x23: {  	s15 =	sadd.s32 $0x200, s15  }
0x24: {  	_ =	swait.ge [sflag:s11], $0x4000  }
0x25: {  	[sflag:s11] =	ssyncset.done $0x0  }
0x26: {  	s14 =	sadd.s32 $0x1, s14  }
0x27: {  	[sflag:s11] =	ssyncadd.s32 $0xFFFFC000;
	p0 =	sne.s32 s14, s9  }
.Ltmp1:
0x28: {  	[bflag:$0x0] =	sbarrier.arrive $0xFFFF;
	(pc) =	sbr.rel @p0 .LBB2_1-.Ltmp1, $4  }
0x29: {  	[hbm:s8], [sflag:s6] =	dma.local [spmem:s10], $0x2800  }
0x2a: {  	_ =	swait.ge [sflag:s11], $0x2800  }
0x2b: {  	[sflag:s11] =	ssyncset.done $0x0  }
0x2c: {  	[sflag:s11] =	ssyncadd.s32 $0xFFFFD800  }
0x2d: {  	_ =	sfence.sel $0x180000  }
0x2e: {  	[bflag:$0x0] =	sbarrier.arrive $0xFFFF  }
0x2f: {  	p0 =	sne.s32 s2, $0x0;
	_ =	strace $0x9000004A  }
0x30: {  	s0 =	sadd.s32 @!p0 $0x100000, s0;
	[bflag:$0x2] =	sbarrier.arrive $0xFFFF  }
0x31: {  	[sflag:s0] =	ssyncadd.tile.s32 @!p0 $0x1;
	_ =	shalt  }
.Lfunc_end2:
_tile_overlayer_lowered:
.L_overlay_start_2:
0x32: {  	(tag) =	ssettag $0x2  }
0x33: {  	s0 =	rddreg [dreg:$0x0];
	s2 =	stileid.u32  }
0x34: {  	s1 =	rddreg [dreg:$0x1];
	p0 =	sne.s32 s2, $0x0  }
0x35: {  	s3 =	rddreg [dreg:$0x2];
	[bflag:$0x3] =	sbarrier.arrive $0xFFFF;
	s2 =	simm.s32 @!p0 $0x1C01  }
0x36: {  	[timem:s3], [sflag:s2] =	dma.local @!p0 [hbm:s0], s1  }
0x37: {  	s0 =	simm.s32 @!p0 $0x1  }
0x38: {  	_ =	swait.ge @!p0 [sflag:s0], s1  }
0x39: {  	s1 =	ssub.s32 @!p0 $0x0, s1;
	[sflag:s0] =	ssyncset.done @!p0 $0x0  }
0x3a: {  	[sflag:s0] =	ssyncadd.s32 @!p0 s1  }
0x3b: {  	[bflag:$0x3] =	sbarrier.arrive $0xFFFF  }
0x3c: {  	_ =	shalt  }

// kernel: kernel.18.cloned.1.call-start
scs
__scs_entry_jumppad:
0x0: {  	(pc) =	sbr.rel $0x88, $3  }
0x1: {  	(tag) =	ssettag $0x0;
	lr =	simm.s32 $0x1  }
0x2: {  	[smem:$0x3F9C] =	sst lr;
	_ =	strace $0xD0000000  }
0x3: {  	_ = 	snop  }
0x4: {  	_ = 	snop  }
0x5: {  	_ = 	snop  }
0x6: {  	_ = 	snop  }
0x7: {  	_ = 	snop  }
__scs_overlays_trampoline_lowered:
0x8: {  	[smem:$0x3FAB] =	sst s0  }
0x9: {  	[smem:$0x3FAC] =	sst s1  }
0xa: {  	[smem:$0x3FAD] =	sst s2  }
0xb: {  	[smem:$0x3FAE] =	sst s3  }
0xc: {  	[smem:$0x3FAF] =	sst s4  }
0xd: {  	[smem:$0x3FB0] =	sst s5  }
0xe: {  	[smem:$0x3FB1] =	sst s6  }
0xf: {  	[smem:$0x3FB2] =	sst s7  }
0x10: {  	[smem:$0x3FB3] =	sst s8  }
0x11: {  	[smem:$0x3FB4] =	sst s9;
	s0 =	simm.s32 @!p0 $0x0  }
0x12: {  	s1 =	sld [smem:$0x3F9A];
	s0 =	simm.s32 @p0 $0x1  }
0x13: {  	[smem:$0x3FB5] =	sst s0;
	s0 =	simm.s32 @!p1 $0x0  }
0x14: {  	s2 =	sld [smem:$0x3F99];
	s0 =	simm.s32 @p1 $0x1  }
0x15: {  	[smem:$0x3FB6] =	sst s0;
	s0 =	simm.s32 @!p2 $0x0  }
0x16: {  	s3 =	sld [smem:$0x3FDB];
	s0 =	simm.s32 @p2 $0x1  }
0x17: {  	s4 =	simm.s32 $0x1BF5;
	[smem:$0x3FB8] =	sst s0  }
0x18: {  	s0 =	sld [smem:$0x3F9B];
	_ =	swait.ge [sflag:s4], $0x0  }
0x19: {  	s7 =	sld [smem:$0x3F9C]  }
0x1a: {  	s8 =	sadd.s32 $0xFFFFE003, lr  }
0x1b: {  	s9 =	sadd.s32 $0xFFFFFEF7, lr;
	s5 =	simm.s32 $0xFFFFFFFF;
	p2 =	slt.u32 s8, $0xFFFFF086  }
0x1c: {  	p1 =	slt.u32 s9, $0xF7A;
	s5 =	simm.s32 @!p2 $0x0  }
0x1d: {  	s5 =	simm.s32 @p1 $0x1;
	p0 =	seq.s32 s7, s2  }
0x1e: {  	s7 =	smul.u32 @!p0 $0xF7A, s2;
	p2 =	seq.s32 @!p0 s5, $0x0  }
0x1f: {  	s9 =	smul.u32 $0xF7A, s1;
	s8 =	simm.s32 @!p0 $0x1BF5;
	p2 =	por !p2, p0  }
0x20: {  	[sflag:s8] =	ssyncset.s32 @!p0 $0xFFFFF086;
	s6 =	sadd.s32 @!p0 s3, s7;
	s7 =	simm.s32 @!p0 $0x108  }
0x21: {  	s3 =	sadd.s32 s3, s9;
	s6 =	sadd.s32 @!p0 $0x88, s6;
	s7 =	simm.s32 @p2 $0x1082  }
0x22: {  	[simem:s7], [sflag:s8] =	dma.local @!p0 [hbm:s6], $0xF7A  }
0x23: {  	s9 =	sor.u32 $0xD0000000, s2;
	s6 =	simm.s32 $0x108;
	_ =	swait.ge @!p0 [sflag:s8], $0x0  }
0x24: {  	s3 =	sadd.s32 $0x88, s3;
	s6 =	simm.s32 @!p1 $0x1082;
	[sflag:s4] =	ssyncset.s32 $0xFFFFF086  }
0x25: {  	[simem:s6], [sflag:s4] =	dma.local [hbm:s3], $0xF7A  }
0x26: {  	[smem:$0x3F9C] =	sst s1;
	(tag) =	ssettag s2;
	_ =	strace s9  }
0x27: {  	s1 =	sld [smem:$0x3FAC]  }
0x28: {  	s2 =	sld [smem:$0x3FAD]  }
0x29: {  	s4 =	sld [smem:$0x3FAF]  }
0x2a: {  	p0 =	seq.s32 s5, $0x0;
	s5 =	sld [smem:$0x3FB0]  }
0x2b: {  	s6 =	sld [smem:$0x3FB1]  }
0x2c: {  	s7 =	sld [smem:$0x3FB2]  }
0x2d: {  	s3 =	simm.s32 $0x108;
	s8 =	sld [smem:$0x3FB3]  }
0x2e: {  	s3 =	simm.s32 @!p0 $0x1082;
	s9 =	sld [smem:$0x3FB4]  }
0x2f: {  	lr =	sadd.s32 s0, s3;
	s0 =	sld [smem:$0x3FAB]  }
0x30: {  	s3 =	sld [smem:$0x3FAE]  }
0x31: {  	[smem:$0x3FB7] =	sst s10  }
0x32: {  	s10 =	sld [smem:$0x3FB5];
	_ =	sdelay $0x3  }
0x33: {  	p0 =	seq.s32 s10, $0x1;
	s10 =	sld [smem:$0x3FB7];
	_ =	sdelay $0x3  }
0x34: {  	[smem:$0x3FB7] =	sst s10  }
0x35: {  	s10 =	sld [smem:$0x3FB6];
	_ =	sdelay $0x3  }
0x36: {  	p1 =	seq.s32 s10, $0x1;
	s10 =	sld [smem:$0x3FB7];
	_ =	sdelay $0x3  }
0x37: {  	[smem:$0x3FB7] =	sst s10  }
0x38: {  	s10 =	sld [smem:$0x3FB8]  }
0x39: {  	_ = 	snop;
	(pc) =	sbr.ind lr, $3  }
0x3a: {  	_ = 	snop  }
0x3b: {  	_ = 	snop  }
0x3c: {  	p2 =	seq.s32 s10, $0x1;
	s10 =	sld [smem:$0x3FB7]  }
0x3d: {  	_ =	shalt  }
0x3e: {  	_ =	shalt  }
0x3f: {  	_ =	shalt  }
0x40: {  	_ =	shalt  }
0x41: {  	_ =	shalt  }
0x42: {  	_ =	shalt  }
0x43: {  	_ =	shalt  }
0x44: {  	_ =	shalt  }
0x45: {  	_ =	shalt  }
0x46: {  	_ =	shalt  }
0x47: {  	_ =	shalt  }
0x48: {  	_ =	shalt  }
0x49: {  	_ =	shalt  }
0x4a: {  	_ =	shalt  }
0x4b: {  	_ =	shalt  }
0x4c: {  	_ =	shalt  }
0x4d: {  	_ =	shalt  }
0x4e: {  	_ =	shalt  }
0x4f: {  	_ =	shalt  }
0x50: {  	_ =	shalt  }
0x51: {  	_ =	shalt  }
0x52: {  	_ =	shalt  }
0x53: {  	_ =	shalt  }
0x54: {  	_ =	shalt  }
0x55: {  	_ =	shalt  }
0x56: {  	_ =	shalt  }
0x57: {  	_ =	shalt  }
0x58: {  	_ =	shalt  }
0x59: {  	_ =	shalt  }
0x5a: {  	_ =	shalt  }
0x5b: {  	_ =	shalt  }
0x5c: {  	_ =	shalt  }
0x5d: {  	_ =	shalt  }
0x5e: {  	_ =	shalt  }
0x5f: {  	_ =	shalt  }
0x60: {  	_ =	shalt  }
0x61: {  	_ =	shalt  }
0x62: {  	_ =	shalt  }
0x63: {  	_ =	shalt  }
0x64: {  	_ =	shalt  }
0x65: {  	_ =	shalt  }
0x66: {  	_ =	shalt  }
0x67: {  	_ =	shalt  }
0x68: {  	_ =	shalt  }
0x69: {  	_ =	shalt  }
0x6a: {  	_ =	shalt  }
0x6b: {  	_ =	shalt  }
0x6c: {  	_ =	shalt  }
0x6d: {  	_ =	shalt  }
0x6e: {  	_ =	shalt  }
0x6f: {  	_ =	shalt  }
0x70: {  	_ =	shalt  }
0x71: {  	_ =	shalt  }
0x72: {  	_ =	shalt  }
0x73: {  	_ =	shalt  }
0x74: {  	_ =	shalt  }
0x75: {  	_ =	shalt  }
0x76: {  	_ =	shalt  }
0x77: {  	_ =	shalt  }
0x78: {  	_ =	shalt  }
0x79: {  	_ =	shalt  }
0x7a: {  	_ =	shalt  }
0x7b: {  	_ =	shalt  }
0x7c: {  	_ =	shalt  }
0x7d: {  	_ =	shalt  }
0x7e: {  	_ =	shalt  }
0x7f: {  	_ =	shalt  }
0x80: {  	_ =	shalt  }
0x81: {  	_ =	shalt  }
0x82: {  	_ =	shalt  }
0x83: {  	_ =	shalt  }
0x84: {  	_ =	shalt  }
0x85: {  	_ =	shalt  }
0x86: {  	_ =	shalt  }
0x87: {  	_ =	shalt  }
.Lfunc_end0:
.L_simem_size_0:
called_computation.2_lowered:
.L_overlay_start_0:
0x88: {  	s2 =	sld [smem:$0x3FD9]  }
0x89: {  	s3 =	sld [smem:$0x3FFE];
	_ =	sdelay $0x1  }
0x8a: {  	s1 =	srdreg.scid  }
0x8b: {  	s0 =	sand.u32 $0x1, s1  }
0x8c: {  	s17 =	sshll.u32 s0, $0xA;
	s2 =	sadd.s32 s3, s2  }
0x8d: {  	s2 =	sadd.s32 s2, s17  }
0x8e: {  	[smem:$0x3FC3] =	sst s2  }
0x8f: {  	_ = 	snop  }
0x90: {  	s2 =	sld [smem:$0x3FD0];
	(tm) =	ssettm $0x1  }
0x91: {  	s18 =	sld [smem:$0x3FFB];
	_ =	sdelay $0x3  }
0x92: {  	_ =	strace s18  }
0x93: {  	s3 =	sld [smem:$0x3FFC];
	_ =	sdelay $0x3  }
0x94: {  	_ =	strace s3  }
0x95: {  	s3 =	sld [smem:$0x3FFD];
	_ =	sdelay $0x3  }
0x96: {  	_ =	strace s3  }
0x97: {  	_ =	strace $0x8FFFFFFF  }
0x98: {  	s19 =	sld [smem:$0x3FDB];
	_ =	sdelay $0x1  }
0x99: {  	s4 =	simm.s32 $_scs_section_size  }
0x9a: {  	s5 =	simm.s32 $_size__tile_overlayer_lowered;
	s6 =	simm.s32 $_tile_overlayer_lowered  }
0x9b: {  	s22 =	simm.s32 $0x1BFF;
	s21 =	sshll.u32 s6, $0x1;
	s3 =	sadd.s32 s4, s19  }
0x9c: {  	s7 =	simm.s32 $0x0;
	s20 =	sshll.u32 s5, $0x1;
	s5 =	sadd.s32 s21, s3  }
0x9d: {  	[timem:s7], [sflag:s22] =	dma.local [hbm:s5], s20  }
0x9e: {  	_ =	swait.ge [sflag:s22], s20  }
0x9f: {  	s4 =	ssub.s32 $0x0, s20;
	[sflag:s22] =	ssyncset.done $0x0  }
0xa0: {  	[sflag:s22] =	ssyncadd.s32 s4;
	_ =	sdelay $0x1  }
0xa1: {  	s23 =	simm.s32 $0x1B8B  }
0xa2: {  	_ =	swait.ge [sflag:s23], $0x1  }
0xa3: {  	[sflag:s23] =	ssyncset.done $0x0  }
0xa4: {  	s25 =	simm.s32 $0x1B8E;
	s24 =	sld [smem:$0x3FFE];
	[sflag:s23] =	ssyncadd.s32 $0xFFFFFFFF  }
0xa5: {  	s26 =	simm.s32 $execute0_lowered;
	[smem:$0x3FD2] =	sst s25  }
0xa6: {  	s5 =	sshll.u32 s26, $0x1;
	_ =	strace $0x8000004C;
	[dreg:$0x1] =	wrdreg $0xFFFFFFFF  }
0xa7: {  	s28 =	simm.s32 $_size_execute0_lowered;
	s3 =	sadd.s32 s3, s5;
	[dreg:$0x0] =	wrdreg $0x0  }
0xa8: {  	s5 =	sshll.u32 s28, $0x1;
	[dreg:$0x2] =	wrdreg s3  }
0xa9: {  	[dreg:$0x3] =	wrdreg s5  }
0xaa: {  	[dreg:$0x4] =	wrdreg $0xC0  }
0xab: {  	_ =	task [dreg:s7], $0x5FFFF  }
0xac: {  	[dreg:$0x1] =	wrdreg $0xFFFFFFFF  }
0xad: {  	[dreg:$0x0] =	wrdreg $0x60  }
0xae: {  	[dreg:$0x2] =	wrdreg s24  }
0xaf: {  	[dreg:$0x3] =	wrdreg s2  }
0xb0: {  	[dreg:$0x4] =	wrdreg $0xB0000  }
0xb1: {  	[dreg:$0x5] =	wrdreg $0x9  }
0xb2: {  	_ =	task.clear_ibuf [dreg:s7], $0x6FFFF;
	_ =	strace $0x9000004C  }
0xb3: {  	s29 =	simm.s32 $0x9;
	_ =	strace $0x8000004E  }
0xb4: {  	_ =	swait.ge [sflag:s29], $0x1  }
0xb5: {  	[sflag:s29] =	ssyncadd.s32 $0xFFFFFFFF  }
0xb6: {  	_ =	strace $0x9000004E  }
0xb7: {  	_ =	sfence  }
0xb8: {  	s30 =	sld [smem:$0x0];
	_ =	sdelay $0x2  }
0xb9: {  	s31 =	sshll.u32 s1, $0xD;
	s1 =	sshrl.u32 s1, $0x2  }
0xba: {  	s3 =	sand.u32 $0x4000, s31;
	s1 =	sadd.s32 s1, s30  }
0xbb: {  	s0 =	sor.u32 s3, s0;
	s1 =	sshll.u32 s1, $0x11  }
0xbc: {  	s0 =	sor.u32 s1, s0  }
0xbd: {  	s0 =	sadd.s32 $0x8F2B, s0  }
0xbe: {  	[sflag:s0] =	ssyncadd.remote.s32 $0x1  }
0xbf: {  	_ =	sfence.sel $0xFFFF  }
0xc0: {  	[dreg:$0x0] =	wrdreg $0xFFFFFFFF;
	(pc) =	sbr.abs _section_cstart, $3  }
0xc1: {  	[dreg:$0x1] =	wrdreg $0xFFFFFFFF  }
0xc2: {  	_ =	task.clear_ibuf [dreg:s7], $0x2FFFF;
	_ =	strace $0x9FFFFFFF  }
0xc3: {  	(tm) =	ssettm $0x7FFFFFFF  }
tec
execute0_lowered:
.L_overlay_start_1:
0x0: {  	(tag) =	ssettag $0x1  }
0x1: {  	s6 =	rddreg [dreg:$0x0]  }
0x2: {  	s8 =	rddreg [dreg:$0x1]  }
0x3: {  	s0 =	srdreg.scid;
	s2 =	rddreg [dreg:$0x2];
	s3 =	simm.s32 $0x0  }
0x4: {  	s14 =	simm.s32 $0x2;
	s15 =	simm.s32 $0x40;
	s16 =	simm.s32 $0x0  }
0x5: {  	s5 =	sand.u32 $0x1, s0;
	s0 =	stileid.u32;
	[smem:$0x7FF] =	sst s3  }
0x6: {  	s4 =	sadd.s32 $0xCA00, s6;
	s1 =	sshll.u32 s5, $0x4;
	s7 =	smul.u32 $0x14000, s0  }
0x7: {  	s10 =	smul.u32 $0x140000, s5;
	s12 =	ssub.s32 $0x2, s5;
	s5 =	sadd.s32 $0x34A00, s6  }
0x8: {  	s30 =	sshll.u32 s0, $0x6;
	s1 =	sor.u32 s0, s1;
	s13 =	sshrl.u32 s12, $0x1  }
0x9: {  	s9 =	smul.u32 $0x500, s1;
	s1 =	rddreg [dreg:$0x3];
	_ =	strace $0x8000004D  }
.Ltmp0:
0xa: {  	s10 =	sadd.s32 s7, s10;
	s12 =	ssub.s32 s12, s13;
	(pc) =	sbr.rel .LBB2_1-.Ltmp0, $4  }
0xb: {  	s31 =	sadd.s32 s7, s2;
	s13 =	simm.s32 $0x2800;
	s10 =	sshrl.u32 s10, $0x3  }
0xc: {  	s11 =	sadd.s32 s9, s6;
	s10 =	sadd.s32 s10, s6;
	s6 =	sor.u32 $0x1C03, s30  }
0xd: {  	s8 =	sadd.s32 s8, s9;
	s7 =	sadd.s32 $0x2A00, s11;
	s9 =	sadd.s32 $0x37200, s10  }
0xe: {  	s10 =	smax.u32 s12, $0x1;
	s11 =	sshrl.u32 s31, $0x3;
	s12 =	simm.s32 $0x3  }
.LBB2_7:
0xf: {  	s16 =	sadd.s32 $0x1, s16  }
0x10: {  	p0 =	sne.s32 s16, s10  }
.Ltmp1:
0x11: {  	[bflag:$0x0] =	sbarrier.arrive $0xFFFF;
	(pc) =	sbr.rel @!p0 .LBB2_8-.Ltmp1, $4  }
0x12: {  	[hbm:s9], [sflag:s6] =	dma.local [spmem:s11], $0x2800  }
0x13: {  	_ =	swait.ge [sflag:s12], $0x2800  }
0x14: {  	[sflag:s12] =	ssyncset.done $0x0  }
0x15: {  	[sflag:s12] =	ssyncadd.s32 $0xFFFFD800  }
.LBB2_1:
0x16: {  	[spmem:s11], [sflag:s6] =	dma.local [hbm:s5], $0x2800  }
0x17: {  	_ =	swait.ge [sflag:s12], $0x2800  }
0x18: {  	[sflag:s12] =	ssyncset.done $0x0  }
0x19: {  	[sflag:s12] =	ssyncadd.s32 $0xFFFFD800  }
0x1a: {  	[tilespmem:s3], [sflag:$0x3] =	stream.linear.gather [hbm4b:s7+s3], $0x2800, $0x38;
	[tilespmem:$0x1F000] =	vst v63  }
0x1b: {  	_ =	swait.ge [sflag:s12], $0x2800  }
0x1c: {  	[sflag:s12] =	ssyncset.done $0x0  }
0x1d: {  	[sflag:s12] =	ssyncadd.s32 $0xFFFFD800  }
0x1e: {  	[tilespmem:s13], [sflag:$0x3] =	stream.linear.gather [hbm4b:s8+s3], $0x2800, $0x38;
	[tilespmem:$0x1F000] =	vst v63  }
.Ltmp2:
0x1f: {  	_ =	swait.ge [sflag:s12], $0x2800;
	(pc) =	sbr.rel .LBB2_2-.Ltmp2, $4  }
0x20: {  	[sflag:s12] =	ssyncset.done $0x0  }
0x21: {  	[sflag:s12] =	ssyncadd.s32 $0xFFFFD800  }
0x22: {  	[bflag:$0x0] =	sbarrier.arrive $0xFFFF  }
0x23: {  	s17 =	simm.s32 $0x2780;
	s18 =	simm.s32 $0x0;
	s19 =	simm.s32 $0x0  }
.LBB2_5:
0x24: {  	s20 =	sshll.u32 s20, $0xD  }
0x25: {  	s20 =	sand.u32 $0x3FFFE000, s20  }
0x26: {  	s20 =	sadd.s32 $0x5000, s20  }
0x27: {  	[tilespmem:s20], [sflag:$0x1] =	stream.indirect.gather [hbm4b:s4+s15], $0x80, s18, s15, $0xb8;
	[tilespmem:$0x1F000] =	vst v63  }
.LBB2_6:
0x28: {  	s19 =	sadd.s32 $0x1, s19  }
0x29: {  	p0 =	sne.s32 s19, $0xA3  }
.Ltmp3:
0x2a: {  	_ = 	snop;
	(pc) =	sbr.rel @!p0 .LBB2_7-.Ltmp3, $2  }
0x2b: {  	_ =	sdelay $0x2  }
0x2c: {  	s18 =	sadd.s32 $0x40, s18;
	s17 =	sadd.s32 $0x40, s17  }
.LBB2_2:
0x2d: {  	p0 =	slt.u32 s19, $0x2  }
0x2e: {  	p1 =	seq.s32 @!p0 s19, $0xA2  }
0x2f: {  	p0 =	por p1, p0  }
0x30: {  	s20 =	sadd.s32 @!p0 $0xFFFFFFFE, s19  }
0x31: {  	s21 =	sand.u32 @!p0 $0xFF, s20  }
0x32: {  	s21 =	smul.u32 @!p0 $0xAB, s21;
	_ =	sdelay $0x1  }
0x33: {  	s21 =	sshrl.u32 @!p0 s21, $0x9  }
0x34: {  	s21 =	smul.u32 @!p0 $0x3, s21;
	_ =	sdelay $0x1  }
0x35: {  	s20 =	ssub.s32 @!p0 s20, s21;
	s21 =	simm.s32 @!p0 $0x1  }
0x36: {  	s20 =	sand.u32 @!p0 $0xFF, s20;
	_ =	swait.ge @!p0 [sflag:s21], $0x2000  }
0x37: {  	s20 =	sshll.u32 @!p0 s20, $0xD;
	[sflag:s21] =	ssyncset.done @!p0 $0x0  }
0x38: {  	s20 =	sadd.s32 @!p0 $0x5000, s20;
	[sflag:s21] =	ssyncadd.s32 @!p0 $0xFFFFE000;
	s21 =	simm.s32 @!p0 $0x40  }
0x39: {  	[spmem:s2] =	stream.indirect.scatter.add.f32 @!p0 [tilespmem:s20], [sflag:$0x2], $0x80, s17, s21, $0xb8;
	[tilespmem:$0x1F000] =	vst v63  }
0x3a: {  	p0 =	slt.u32 s19, $0x3  }
.Ltmp4:
0x3b: {  	_ = 	snop;
	(pc) =	sbr.rel @p0 .LBB2_5-.Ltmp4, $2  }
0x3c: {  	_ =	sdelay $0x2  }
0x3d: {  	s20 =	smov.u32 s19  }
0x3e: {  	p0 =	sgt.u32 s19, $0x9F  }
.Ltmp5:
0x3f: {  	_ = 	snop;
	(pc) =	sbr.rel @p0 .LBB2_6-.Ltmp5, $4  }
0x40: {  	_ = 	snop  }
0x41: {  	_ =	swait.ge [sflag:s14], $0x2000  }
0x42: {  	[sflag:s14] =	ssyncset.done $0x0  }
0x43: {  	[sflag:s14] =	ssyncadd.s32 $0xFFFFE000  }
0x44: {  	s20 =	sadd.s32 $0xFFFFFFFD, s19  }
0x45: {  	s21 =	sand.u32 $0xFF, s20  }
0x46: {  	s21 =	smul.u32 $0xAB, s21;
	_ =	sdelay $0x1  }
.Ltmp6:
0x47: {  	s21 =	sshrl.u32 s21, $0x9;
	(pc) =	sbr.rel .LBB2_5-.Ltmp6, $3  }
0x48: {  	s21 =	smul.u32 $0x3, s21;
	_ =	sdelay $0x1  }
0x49: {  	s20 =	ssub.s32 s20, s21  }
0x4a: {  	s20 =	sand.u32 $0xFF, s20  }
.LBB2_8:
0x4b: {  	_ =	sfence.sel $0x180000  }
0x4c: {  	[bflag:$0x0] =	sbarrier.arrive $0xFFFF  }
0x4d: {  	p0 =	sne.s32 s0, $0x0;
	_ =	strace $0x9000004D  }
0x4e: {  	s0 =	sadd.s32 @!p0 $0x100000, s1;
	[bflag:$0x2] =	sbarrier.arrive $0xFFFF  }
0x4f: {  	[sflag:s0] =	ssyncadd.tile.s32 @!p0 $0x1;
	_ =	shalt  }
.Lfunc_end2:
_tile_overlayer_lowered:
.L_overlay_start_2:
0x50: {  	(tag) =	ssettag $0x2  }
0x51: {  	s0 =	rddreg [dreg:$0x0];
	s2 =	stileid.u32  }
0x52: {  	s1 =	rddreg [dreg:$0x1];
	p0 =	sne.s32 s2, $0x0  }
0x53: {  	s3 =	rddreg [dreg:$0x2];
	[bflag:$0x3] =	sbarrier.arrive $0xFFFF;
	s2 =	simm.s32 @!p0 $0x1C03  }
0x54: {  	[timem:s3], [sflag:s2] =	dma.local @!p0 [hbm:s0], s1  }
0x55: {  	s0 =	simm.s32 @!p0 $0x3  }
0x56: {  	_ =	swait.ge @!p0 [sflag:s0], s1  }
0x57: {  	s1 =	ssub.s32 @!p0 $0x0, s1;
	[sflag:s0] =	ssyncset.done @!p0 $0x0  }
0x58: {  	[sflag:s0] =	ssyncadd.s32 @!p0 s1  }
0x59: {  	[bflag:$0x3] =	sbarrier.arrive $0xFFFF  }
0x5a: {  	_ =	shalt  }

// kernel: kernel.21.cloned.1.call-start
scs
__scs_entry_jumppad:
0x0: {  	(pc) =	sbr.rel $0x88, $3  }
0x1: {  	(tag) =	ssettag $0x0;
	lr =	simm.s32 $0x1  }
0x2: {  	[smem:$0x3F9C] =	sst lr;
	_ =	strace $0xD0000000  }
0x3: {  	_ = 	snop  }
0x4: {  	_ = 	snop  }
0x5: {  	_ = 	snop  }
0x6: {  	_ = 	snop  }
0x7: {  	_ = 	snop  }
__scs_overlays_trampoline_lowered:
0x8: {  	[smem:$0x3FAB] =	sst s0  }
0x9: {  	[smem:$0x3FAC] =	sst s1  }
0xa: {  	[smem:$0x3FAD] =	sst s2  }
0xb: {  	[smem:$0x3FAE] =	sst s3  }
0xc: {  	[smem:$0x3FAF] =	sst s4  }
0xd: {  	[smem:$0x3FB0] =	sst s5  }
0xe: {  	[smem:$0x3FB1] =	sst s6  }
0xf: {  	[smem:$0x3FB2] =	sst s7  }
0x10: {  	[smem:$0x3FB3] =	sst s8  }
0x11: {  	[smem:$0x3FB4] =	sst s9;
	s0 =	simm.s32 @!p0 $0x0  }
0x12: {  	s1 =	sld [smem:$0x3F9A];
	s0 =	simm.s32 @p0 $0x1  }
0x13: {  	[smem:$0x3FB5] =	sst s0;
	s0 =	simm.s32 @!p1 $0x0  }
0x14: {  	s2 =	sld [smem:$0x3F99];
	s0 =	simm.s32 @p1 $0x1  }
0x15: {  	[smem:$0x3FB6] =	sst s0;
	s0 =	simm.s32 @!p2 $0x0  }
0x16: {  	s3 =	sld [smem:$0x3FDB];
	s0 =	simm.s32 @p2 $0x1  }
0x17: {  	s4 =	simm.s32 $0x1BF5;
	[smem:$0x3FB8] =	sst s0  }
0x18: {  	s0 =	sld [smem:$0x3F9B];
	_ =	swait.ge [sflag:s4], $0x0  }
0x19: {  	s7 =	sld [smem:$0x3F9C]  }
0x1a: {  	s8 =	sadd.s32 $0xFFFFE003, lr  }
0x1b: {  	s9 =	sadd.s32 $0xFFFFFEF7, lr;
	s5 =	simm.s32 $0xFFFFFFFF;
	p2 =	slt.u32 s8, $0xFFFFF086  }
0x1c: {  	p1 =	slt.u32 s9, $0xF7A;
	s5 =	simm.s32 @!p2 $0x0  }
0x1d: {  	s5 =	simm.s32 @p1 $0x1;
	p0 =	seq.s32 s7, s2  }
0x1e: {  	s7 =	smul.u32 @!p0 $0xF7A, s2;
	p2 =	seq.s32 @!p0 s5, $0x0  }
0x1f: {  	s9 =	smul.u32 $0xF7A, s1;
	s8 =	simm.s32 @!p0 $0x1BF5;
	p2 =	por !p2, p0  }
0x20: {  	[sflag:s8] =	ssyncset.s32 @!p0 $0xFFFFF086;
	s6 =	sadd.s32 @!p0 s3, s7;
	s7 =	simm.s32 @!p0 $0x108  }
0x21: {  	s3 =	sadd.s32 s3, s9;
	s6 =	sadd.s32 @!p0 $0x88, s6;
	s7 =	simm.s32 @p2 $0x1082  }
0x22: {  	[simem:s7], [sflag:s8] =	dma.local @!p0 [hbm:s6], $0xF7A  }
0x23: {  	s9 =	sor.u32 $0xD0000000, s2;
	s6 =	simm.s32 $0x108;
	_ =	swait.ge @!p0 [sflag:s8], $0x0  }
0x24: {  	s3 =	sadd.s32 $0x88, s3;
	s6 =	simm.s32 @!p1 $0x1082;
	[sflag:s4] =	ssyncset.s32 $0xFFFFF086  }
0x25: {  	[simem:s6], [sflag:s4] =	dma.local [hbm:s3], $0xF7A  }
0x26: {  	[smem:$0x3F9C] =	sst s1;
	(tag) =	ssettag s2;
	_ =	strace s9  }
0x27: {  	s1 =	sld [smem:$0x3FAC]  }
0x28: {  	s2 =	sld [smem:$0x3FAD]  }
0x29: {  	s4 =	sld [smem:$0x3FAF]  }
0x2a: {  	p0 =	seq.s32 s5, $0x0;
	s5 =	sld [smem:$0x3FB0]  }
0x2b: {  	s6 =	sld [smem:$0x3FB1]  }
0x2c: {  	s7 =	sld [smem:$0x3FB2]  }
0x2d: {  	s3 =	simm.s32 $0x108;
	s8 =	sld [smem:$0x3FB3]  }
0x2e: {  	s3 =	simm.s32 @!p0 $0x1082;
	s9 =	sld [smem:$0x3FB4]  }
0x2f: {  	lr =	sadd.s32 s0, s3;
	s0 =	sld [smem:$0x3FAB]  }
0x30: {  	s3 =	sld [smem:$0x3FAE]  }
0x31: {  	[smem:$0x3FB7] =	sst s10  }
0x32: {  	s10 =	sld [smem:$0x3FB5];
	_ =	sdelay $0x3  }
0x33: {  	p0 =	seq.s32 s10, $0x1;
	s10 =	sld [smem:$0x3FB7];
	_ =	sdelay $0x3  }
0x34: {  	[smem:$0x3FB7] =	sst s10  }
0x35: {  	s10 =	sld [smem:$0x3FB6];
	_ =	sdelay $0x3  }
0x36: {  	p1 =	seq.s32 s10, $0x1;
	s10 =	sld [smem:$0x3FB7];
	_ =	sdelay $0x3  }
0x37: {  	[smem:$0x3FB7] =	sst s10  }
0x38: {  	s10 =	sld [smem:$0x3FB8]  }
0x39: {  	_ = 	snop;
	(pc) =	sbr.ind lr, $3  }
0x3a: {  	_ = 	snop  }
0x3b: {  	_ = 	snop  }
0x3c: {  	p2 =	seq.s32 s10, $0x1;
	s10 =	sld [smem:$0x3FB7]  }
0x3d: {  	_ =	shalt  }
0x3e: {  	_ =	shalt  }
0x3f: {  	_ =	shalt  }
0x40: {  	_ =	shalt  }
0x41: {  	_ =	shalt  }
0x42: {  	_ =	shalt  }
0x43: {  	_ =	shalt  }
0x44: {  	_ =	shalt  }
0x45: {  	_ =	shalt  }
0x46: {  	_ =	shalt  }
0x47: {  	_ =	shalt  }
0x48: {  	_ =	shalt  }
0x49: {  	_ =	shalt  }
0x4a: {  	_ =	shalt  }
0x4b: {  	_ =	shalt  }
0x4c: {  	_ =	shalt  }
0x4d: {  	_ =	shalt  }
0x4e: {  	_ =	shalt  }
0x4f: {  	_ =	shalt  }
0x50: {  	_ =	shalt  }
0x51: {  	_ =	shalt  }
0x52: {  	_ =	shalt  }
0x53: {  	_ =	shalt  }
0x54: {  	_ =	shalt  }
0x55: {  	_ =	shalt  }
0x56: {  	_ =	shalt  }
0x57: {  	_ =	shalt  }
0x58: {  	_ =	shalt  }
0x59: {  	_ =	shalt  }
0x5a: {  	_ =	shalt  }
0x5b: {  	_ =	shalt  }
0x5c: {  	_ =	shalt  }
0x5d: {  	_ =	shalt  }
0x5e: {  	_ =	shalt  }
0x5f: {  	_ =	shalt  }
0x60: {  	_ =	shalt  }
0x61: {  	_ =	shalt  }
0x62: {  	_ =	shalt  }
0x63: {  	_ =	shalt  }
0x64: {  	_ =	shalt  }
0x65: {  	_ =	shalt  }
0x66: {  	_ =	shalt  }
0x67: {  	_ =	shalt  }
0x68: {  	_ =	shalt  }
0x69: {  	_ =	shalt  }
0x6a: {  	_ =	shalt  }
0x6b: {  	_ =	shalt  }
0x6c: {  	_ =	shalt  }
0x6d: {  	_ =	shalt  }
0x6e: {  	_ =	shalt  }
0x6f: {  	_ =	shalt  }
0x70: {  	_ =	shalt  }
0x71: {  	_ =	shalt  }
0x72: {  	_ =	shalt  }
0x73: {  	_ =	shalt  }
0x74: {  	_ =	shalt  }
0x75: {  	_ =	shalt  }
0x76: {  	_ =	shalt  }
0x77: {  	_ =	shalt  }
0x78: {  	_ =	shalt  }
0x79: {  	_ =	shalt  }
0x7a: {  	_ =	shalt  }
0x7b: {  	_ =	shalt  }
0x7c: {  	_ =	shalt  }
0x7d: {  	_ =	shalt  }
0x7e: {  	_ =	shalt  }
0x7f: {  	_ =	shalt  }
0x80: {  	_ =	shalt  }
0x81: {  	_ =	shalt  }
0x82: {  	_ =	shalt  }
0x83: {  	_ =	shalt  }
0x84: {  	_ =	shalt  }
0x85: {  	_ =	shalt  }
0x86: {  	_ =	shalt  }
0x87: {  	_ =	shalt  }
.Lfunc_end0:
.L_simem_size_0:
called_computation.3_lowered:
.L_overlay_start_0:
0x88: {  	s2 =	sld [smem:$0x3FD9]  }
0x89: {  	s3 =	sld [smem:$0x3FFE];
	_ =	sdelay $0x1  }
0x8a: {  	s1 =	srdreg.scid  }
0x8b: {  	s0 =	sand.u32 $0x1, s1  }
0x8c: {  	s17 =	sshll.u32 s0, $0xA;
	s2 =	sadd.s32 s3, s2  }
0x8d: {  	s2 =	sadd.s32 s2, s17  }
0x8e: {  	[smem:$0x3FC3] =	sst s2  }
0x8f: {  	_ = 	snop  }
0x90: {  	s2 =	sld [smem:$0x3FD0];
	(tm) =	ssettm $0x1  }
0x91: {  	s18 =	sld [smem:$0x3FFB];
	_ =	sdelay $0x3  }
0x92: {  	_ =	strace s18  }
0x93: {  	s3 =	sld [smem:$0x3FFC];
	_ =	sdelay $0x3  }
0x94: {  	_ =	strace s3  }
0x95: {  	s3 =	sld [smem:$0x3FFD];
	_ =	sdelay $0x3  }
0x96: {  	_ =	strace s3  }
0x97: {  	_ =	strace $0x8FFFFFFF  }
0x98: {  	s19 =	sld [smem:$0x3FDB];
	_ =	sdelay $0x1  }
0x99: {  	s4 =	simm.s32 $_scs_section_size  }
0x9a: {  	s5 =	simm.s32 $_size__tile_overlayer_lowered;
	s6 =	simm.s32 $_tile_overlayer_lowered  }
0x9b: {  	s22 =	simm.s32 $0x1BFF;
	s21 =	sshll.u32 s6, $0x1;
	s3 =	sadd.s32 s4, s19  }
0x9c: {  	s7 =	simm.s32 $0x0;
	s20 =	sshll.u32 s5, $0x1;
	s5 =	sadd.s32 s21, s3  }
0x9d: {  	[timem:s7], [sflag:s22] =	dma.local [hbm:s5], s20  }
0x9e: {  	_ =	swait.ge [sflag:s22], s20  }
0x9f: {  	s4 =	ssub.s32 $0x0, s20;
	[sflag:s22] =	ssyncset.done $0x0  }
0xa0: {  	[sflag:s22] =	ssyncadd.s32 s4;
	_ =	sdelay $0x1  }
0xa1: {  	s23 =	simm.s32 $0x1B8B  }
0xa2: {  	_ =	swait.ge [sflag:s23], $0x1  }
0xa3: {  	[sflag:s23] =	ssyncset.done $0x0  }
0xa4: {  	s25 =	simm.s32 $0x1B8E;
	s24 =	sld [smem:$0x3FFE];
	[sflag:s23] =	ssyncadd.s32 $0xFFFFFFFF  }
0xa5: {  	s26 =	simm.s32 $execute0_lowered;
	[smem:$0x3FD2] =	sst s25  }
0xa6: {  	s5 =	sshll.u32 s26, $0x1;
	_ =	strace $0x8000004F;
	[dreg:$0x1] =	wrdreg $0xFFFFFFFF  }
0xa7: {  	s28 =	simm.s32 $_size_execute0_lowered;
	s3 =	sadd.s32 s3, s5;
	[dreg:$0x0] =	wrdreg $0x0  }
0xa8: {  	s5 =	sshll.u32 s28, $0x1;
	[dreg:$0x2] =	wrdreg s3  }
0xa9: {  	[dreg:$0x3] =	wrdreg s5  }
0xaa: {  	[dreg:$0x4] =	wrdreg $0xC0  }
0xab: {  	_ =	task [dreg:s7], $0x5FFFF  }
0xac: {  	[dreg:$0x1] =	wrdreg $0xFFFFFFFF  }
0xad: {  	[dreg:$0x0] =	wrdreg $0x60  }
0xae: {  	[dreg:$0x2] =	wrdreg s24  }
0xaf: {  	[dreg:$0x3] =	wrdreg s2  }
0xb0: {  	[dreg:$0x4] =	wrdreg $0xB0000  }
0xb1: {  	[dreg:$0x5] =	wrdreg $0x9  }
0xb2: {  	_ =	task.clear_ibuf [dreg:s7], $0x6FFFF;
	_ =	strace $0x9000004F  }
0xb3: {  	s29 =	simm.s32 $0x9;
	_ =	strace $0x80000051  }
0xb4: {  	_ =	swait.ge [sflag:s29], $0x1  }
0xb5: {  	[sflag:s29] =	ssyncadd.s32 $0xFFFFFFFF  }
0xb6: {  	_ =	strace $0x90000051  }
0xb7: {  	_ =	sfence  }
0xb8: {  	s30 =	sld [smem:$0x0];
	_ =	sdelay $0x2  }
0xb9: {  	s31 =	sshll.u32 s1, $0xD;
	s1 =	sshrl.u32 s1, $0x2  }
0xba: {  	s3 =	sand.u32 $0x4000, s31;
	s1 =	sadd.s32 s1, s30  }
0xbb: {  	s0 =	sor.u32 s3, s0;
	s1 =	sshll.u32 s1, $0x11  }
0xbc: {  	s0 =	sor.u32 s1, s0  }
0xbd: {  	s0 =	sadd.s32 $0x8F2B, s0  }
0xbe: {  	[sflag:s0] =	ssyncadd.remote.s32 $0x1  }
0xbf: {  	_ =	sfence.sel $0xFFFF  }
0xc0: {  	[dreg:$0x0] =	wrdreg $0xFFFFFFFF;
	(pc) =	sbr.abs _section_cstart, $3  }
0xc1: {  	[dreg:$0x1] =	wrdreg $0xFFFFFFFF  }
0xc2: {  	_ =	task.clear_ibuf [dreg:s7], $0x2FFFF;
	_ =	strace $0x9FFFFFFF  }
0xc3: {  	(tm) =	ssettm $0x7FFFFFFF  }
tec
execute0_lowered:
.L_overlay_start_1:
0x0: {  	(tag) =	ssettag $0x1  }
0x1: {  	s6 =	rddreg [dreg:$0x0]  }
0x2: {  	s8 =	rddreg [dreg:$0x1]  }
0x3: {  	s0 =	srdreg.scid;
	s2 =	rddreg [dreg:$0x2];
	s3 =	simm.s32 $0x0  }
0x4: {  	s14 =	simm.s32 $0x2;
	s15 =	simm.s32 $0x40;
	s16 =	simm.s32 $0x0  }
0x5: {  	s5 =	sand.u32 $0x1, s0;
	s0 =	stileid.u32;
	[smem:$0x7FF] =	sst s3  }
0x6: {  	s4 =	sadd.s32 $0xCA00, s6;
	s1 =	sshll.u32 s5, $0x4;
	s7 =	smul.u32 $0x14000, s0  }
0x7: {  	s10 =	smul.u32 $0x140000, s5;
	s12 =	ssub.s32 $0x2, s5;
	s5 =	sadd.s32 $0x34A00, s6  }
0x8: {  	s30 =	sshll.u32 s0, $0x6;
	s1 =	sor.u32 s0, s1;
	s13 =	sshrl.u32 s12, $0x1  }
0x9: {  	s9 =	smul.u32 $0x500, s1;
	s1 =	rddreg [dreg:$0x3];
	_ =	strace $0x80000050  }
.Ltmp0:
0xa: {  	s10 =	sadd.s32 s7, s10;
	s12 =	ssub.s32 s12, s13;
	(pc) =	sbr.rel .LBB2_1-.Ltmp0, $4  }
0xb: {  	s31 =	sadd.s32 s7, s2;
	s13 =	simm.s32 $0x2800;
	s10 =	sshrl.u32 s10, $0x3  }
0xc: {  	s11 =	sadd.s32 s9, s6;
	s10 =	sadd.s32 s10, s6;
	s6 =	sor.u32 $0x1C03, s30  }
0xd: {  	s8 =	sadd.s32 s8, s9;
	s7 =	sadd.s32 $0x2A00, s11;
	s9 =	sadd.s32 $0x37200, s10  }
0xe: {  	s10 =	smax.u32 s12, $0x1;
	s11 =	sshrl.u32 s31, $0x3;
	s12 =	simm.s32 $0x3  }
.LBB2_7:
0xf: {  	s16 =	sadd.s32 $0x1, s16  }
0x10: {  	p0 =	sne.s32 s16, s10  }
.Ltmp1:
0x11: {  	[bflag:$0x0] =	sbarrier.arrive $0xFFFF;
	(pc) =	sbr.rel @!p0 .LBB2_8-.Ltmp1, $4  }
0x12: {  	[hbm:s9], [sflag:s6] =	dma.local [spmem:s11], $0x2800  }
0x13: {  	_ =	swait.ge [sflag:s12], $0x2800  }
0x14: {  	[sflag:s12] =	ssyncset.done $0x0  }
0x15: {  	[sflag:s12] =	ssyncadd.s32 $0xFFFFD800  }
.LBB2_1:
0x16: {  	[spmem:s11], [sflag:s6] =	dma.local [hbm:s5], $0x2800  }
0x17: {  	_ =	swait.ge [sflag:s12], $0x2800  }
0x18: {  	[sflag:s12] =	ssyncset.done $0x0  }
0x19: {  	[sflag:s12] =	ssyncadd.s32 $0xFFFFD800  }
0x1a: {  	[tilespmem:s3], [sflag:$0x3] =	stream.linear.gather [hbm4b:s7+s3], $0x2800, $0x38;
	[tilespmem:$0x1F000] =	vst v63  }
0x1b: {  	_ =	swait.ge [sflag:s12], $0x2800  }
0x1c: {  	[sflag:s12] =	ssyncset.done $0x0  }
0x1d: {  	[sflag:s12] =	ssyncadd.s32 $0xFFFFD800  }
0x1e: {  	[tilespmem:s13], [sflag:$0x3] =	stream.linear.gather [hbm4b:s8+s3], $0x2800, $0x38;
	[tilespmem:$0x1F000] =	vst v63  }
.Ltmp2:
0x1f: {  	_ =	swait.ge [sflag:s12], $0x2800;
	(pc) =	sbr.rel .LBB2_2-.Ltmp2, $4  }
0x20: {  	[sflag:s12] =	ssyncset.done $0x0  }
0x21: {  	[sflag:s12] =	ssyncadd.s32 $0xFFFFD800  }
0x22: {  	[bflag:$0x0] =	sbarrier.arrive $0xFFFF  }
0x23: {  	s17 =	simm.s32 $0x2780;
	s18 =	simm.s32 $0x0;
	s19 =	simm.s32 $0x0  }
.LBB2_5:
0x24: {  	s20 =	sshll.u32 s20, $0xD  }
0x25: {  	s20 =	sand.u32 $0x3FFFE000, s20  }
0x26: {  	s20 =	sadd.s32 $0x5000, s20  }
0x27: {  	[tilespmem:s20], [sflag:$0x1] =	stream.indirect.gather [hbm4b:s4+s15], $0x80, s18, s15, $0xb8;
	[tilespmem:$0x1F000] =	vst v63  }
.LBB2_6:
0x28: {  	s19 =	sadd.s32 $0x1, s19  }
0x29: {  	p0 =	sne.s32 s19, $0xA3  }
.Ltmp3:
0x2a: {  	_ = 	snop;
	(pc) =	sbr.rel @!p0 .LBB2_7-.Ltmp3, $2  }
0x2b: {  	_ =	sdelay $0x2  }
0x2c: {  	s18 =	sadd.s32 $0x40, s18;
	s17 =	sadd.s32 $0x40, s17  }
.LBB2_2:
0x2d: {  	p0 =	slt.u32 s19, $0x2  }
0x2e: {  	p1 =	seq.s32 @!p0 s19, $0xA2  }
0x2f: {  	p0 =	por p1, p0  }
0x30: {  	s20 =	sadd.s32 @!p0 $0xFFFFFFFE, s19  }
0x31: {  	s21 =	sand.u32 @!p0 $0xFF, s20  }
0x32: {  	s21 =	smul.u32 @!p0 $0xAB, s21;
	_ =	sdelay $0x1  }
0x33: {  	s21 =	sshrl.u32 @!p0 s21, $0x9  }
0x34: {  	s21 =	smul.u32 @!p0 $0x3, s21;
	_ =	sdelay $0x1  }
0x35: {  	s20 =	ssub.s32 @!p0 s20, s21;
	s21 =	simm.s32 @!p0 $0x1  }
0x36: {  	s20 =	sand.u32 @!p0 $0xFF, s20;
	_ =	swait.ge @!p0 [sflag:s21], $0x2000  }
0x37: {  	s20 =	sshll.u32 @!p0 s20, $0xD;
	[sflag:s21] =	ssyncset.done @!p0 $0x0  }
0x38: {  	s20 =	sadd.s32 @!p0 $0x5000, s20;
	[sflag:s21] =	ssyncadd.s32 @!p0 $0xFFFFE000;
	s21 =	simm.s32 @!p0 $0x40  }
0x39: {  	[spmem:s2] =	stream.indirect.scatter.add.f32 @!p0 [tilespmem:s20], [sflag:$0x2], $0x80, s17, s21, $0xb8;
	[tilespmem:$0x1F000] =	vst v63  }
0x3a: {  	p0 =	slt.u32 s19, $0x3  }
.Ltmp4:
0x3b: {  	_ = 	snop;
	(pc) =	sbr.rel @p0 .LBB2_5-.Ltmp4, $2  }
0x3c: {  	_ =	sdelay $0x2  }
0x3d: {  	s20 =	smov.u32 s19  }
0x3e: {  	p0 =	sgt.u32 s19, $0x9F  }
.Ltmp5:
0x3f: {  	_ = 	snop;
	(pc) =	sbr.rel @p0 .LBB2_6-.Ltmp5, $4  }
0x40: {  	_ = 	snop  }
0x41: {  	_ =	swait.ge [sflag:s14], $0x2000  }
0x42: {  	[sflag:s14] =	ssyncset.done $0x0  }
0x43: {  	[sflag:s14] =	ssyncadd.s32 $0xFFFFE000  }
0x44: {  	s20 =	sadd.s32 $0xFFFFFFFD, s19  }
0x45: {  	s21 =	sand.u32 $0xFF, s20  }
0x46: {  	s21 =	smul.u32 $0xAB, s21;
	_ =	sdelay $0x1  }
.Ltmp6:
0x47: {  	s21 =	sshrl.u32 s21, $0x9;
	(pc) =	sbr.rel .LBB2_5-.Ltmp6, $3  }
0x48: {  	s21 =	smul.u32 $0x3, s21;
	_ =	sdelay $0x1  }
0x49: {  	s20 =	ssub.s32 s20, s21  }
0x4a: {  	s20 =	sand.u32 $0xFF, s20  }
.LBB2_8:
0x4b: {  	_ =	sfence.sel $0x180000  }
0x4c: {  	[bflag:$0x0] =	sbarrier.arrive $0xFFFF  }
0x4d: {  	p0 =	sne.s32 s0, $0x0;
	_ =	strace $0x90000050  }
0x4e: {  	s0 =	sadd.s32 @!p0 $0x100000, s1;
	[bflag:$0x2] =	sbarrier.arrive $0xFFFF  }
0x4f: {  	[sflag:s0] =	ssyncadd.tile.s32 @!p0 $0x1;
	_ =	shalt  }
.Lfunc_end2:
_tile_overlayer_lowered:
.L_overlay_start_2:
0x50: {  	(tag) =	ssettag $0x2  }
0x51: {  	s0 =	rddreg [dreg:$0x0];
	s2 =	stileid.u32  }
0x52: {  	s1 =	rddreg [dreg:$0x1];
	p0 =	sne.s32 s2, $0x0  }
0x53: {  	s3 =	rddreg [dreg:$0x2];
	[bflag:$0x3] =	sbarrier.arrive $0xFFFF;
	s2 =	simm.s32 @!p0 $0x1C03  }
0x54: {  	[timem:s3], [sflag:s2] =	dma.local @!p0 [hbm:s0], s1  }
0x55: {  	s0 =	simm.s32 @!p0 $0x3  }
0x56: {  	_ =	swait.ge @!p0 [sflag:s0], s1  }
0x57: {  	s1 =	ssub.s32 @!p0 $0x0, s1;
	[sflag:s0] =	ssyncset.done @!p0 $0x0  }
0x58: {  	[sflag:s0] =	ssyncadd.s32 @!p0 s1  }
0x59: {  	[bflag:$0x3] =	sbarrier.arrive $0xFFFF  }
0x5a: {  	_ =	shalt  }

// kernel: kernel.24.cloned.1.call-start
scs
__scs_entry_jumppad:
0x0: {  	(pc) =	sbr.rel $0x88, $3  }
0x1: {  	(tag) =	ssettag $0x0;
	lr =	simm.s32 $0x1  }
0x2: {  	[smem:$0x3F9C] =	sst lr;
	_ =	strace $0xD0000000  }
0x3: {  	_ = 	snop  }
0x4: {  	_ = 	snop  }
0x5: {  	_ = 	snop  }
0x6: {  	_ = 	snop  }
0x7: {  	_ = 	snop  }
__scs_overlays_trampoline_lowered:
0x8: {  	[smem:$0x3FAB] =	sst s0  }
0x9: {  	[smem:$0x3FAC] =	sst s1  }
0xa: {  	[smem:$0x3FAD] =	sst s2  }
0xb: {  	[smem:$0x3FAE] =	sst s3  }
0xc: {  	[smem:$0x3FAF] =	sst s4  }
0xd: {  	[smem:$0x3FB0] =	sst s5  }
0xe: {  	[smem:$0x3FB1] =	sst s6  }
0xf: {  	[smem:$0x3FB2] =	sst s7  }
0x10: {  	[smem:$0x3FB3] =	sst s8  }
0x11: {  	[smem:$0x3FB4] =	sst s9;
	s0 =	simm.s32 @!p0 $0x0  }
0x12: {  	s1 =	sld [smem:$0x3F9A];
	s0 =	simm.s32 @p0 $0x1  }
0x13: {  	[smem:$0x3FB5] =	sst s0;
	s0 =	simm.s32 @!p1 $0x0  }
0x14: {  	s2 =	sld [smem:$0x3F99];
	s0 =	simm.s32 @p1 $0x1  }
0x15: {  	[smem:$0x3FB6] =	sst s0;
	s0 =	simm.s32 @!p2 $0x0  }
0x16: {  	s3 =	sld [smem:$0x3FDB];
	s0 =	simm.s32 @p2 $0x1  }
0x17: {  	s4 =	simm.s32 $0x1BF5;
	[smem:$0x3FB8] =	sst s0  }
0x18: {  	s0 =	sld [smem:$0x3F9B];
	_ =	swait.ge [sflag:s4], $0x0  }
0x19: {  	s7 =	sld [smem:$0x3F9C]  }
0x1a: {  	s8 =	sadd.s32 $0xFFFFE003, lr  }
0x1b: {  	s9 =	sadd.s32 $0xFFFFFEF7, lr;
	s5 =	simm.s32 $0xFFFFFFFF;
	p2 =	slt.u32 s8, $0xFFFFF086  }
0x1c: {  	p1 =	slt.u32 s9, $0xF7A;
	s5 =	simm.s32 @!p2 $0x0  }
0x1d: {  	s5 =	simm.s32 @p1 $0x1;
	p0 =	seq.s32 s7, s2  }
0x1e: {  	s7 =	smul.u32 @!p0 $0xF7A, s2;
	p2 =	seq.s32 @!p0 s5, $0x0  }
0x1f: {  	s9 =	smul.u32 $0xF7A, s1;
	s8 =	simm.s32 @!p0 $0x1BF5;
	p2 =	por !p2, p0  }
0x20: {  	[sflag:s8] =	ssyncset.s32 @!p0 $0xFFFFF086;
	s6 =	sadd.s32 @!p0 s3, s7;
	s7 =	simm.s32 @!p0 $0x108  }
0x21: {  	s3 =	sadd.s32 s3, s9;
	s6 =	sadd.s32 @!p0 $0x88, s6;
	s7 =	simm.s32 @p2 $0x1082  }
0x22: {  	[simem:s7], [sflag:s8] =	dma.local @!p0 [hbm:s6], $0xF7A  }
0x23: {  	s9 =	sor.u32 $0xD0000000, s2;
	s6 =	simm.s32 $0x108;
	_ =	swait.ge @!p0 [sflag:s8], $0x0  }
0x24: {  	s3 =	sadd.s32 $0x88, s3;
	s6 =	simm.s32 @!p1 $0x1082;
	[sflag:s4] =	ssyncset.s32 $0xFFFFF086  }
0x25: {  	[simem:s6], [sflag:s4] =	dma.local [hbm:s3], $0xF7A  }
0x26: {  	[smem:$0x3F9C] =	sst s1;
	(tag) =	ssettag s2;
	_ =	strace s9  }
0x27: {  	s1 =	sld [smem:$0x3FAC]  }
0x28: {  	s2 =	sld [smem:$0x3FAD]  }
0x29: {  	s4 =	sld [smem:$0x3FAF]  }
0x2a: {  	p0 =	seq.s32 s5, $0x0;
	s5 =	sld [smem:$0x3FB0]  }
0x2b: {  	s6 =	sld [smem:$0x3FB1]  }
0x2c: {  	s7 =	sld [smem:$0x3FB2]  }
0x2d: {  	s3 =	simm.s32 $0x108;
	s8 =	sld [smem:$0x3FB3]  }
0x2e: {  	s3 =	simm.s32 @!p0 $0x1082;
	s9 =	sld [smem:$0x3FB4]  }
0x2f: {  	lr =	sadd.s32 s0, s3;
	s0 =	sld [smem:$0x3FAB]  }
0x30: {  	s3 =	sld [smem:$0x3FAE]  }
0x31: {  	[smem:$0x3FB7] =	sst s10  }
0x32: {  	s10 =	sld [smem:$0x3FB5];
	_ =	sdelay $0x3  }
0x33: {  	p0 =	seq.s32 s10, $0x1;
	s10 =	sld [smem:$0x3FB7];
	_ =	sdelay $0x3  }
0x34: {  	[smem:$0x3FB7] =	sst s10  }
0x35: {  	s10 =	sld [smem:$0x3FB6];
	_ =	sdelay $0x3  }
0x36: {  	p1 =	seq.s32 s10, $0x1;
	s10 =	sld [smem:$0x3FB7];
	_ =	sdelay $0x3  }
0x37: {  	[smem:$0x3FB7] =	sst s10  }
0x38: {  	s10 =	sld [smem:$0x3FB8]  }
0x39: {  	_ = 	snop;
	(pc) =	sbr.ind lr, $3  }
0x3a: {  	_ = 	snop  }
0x3b: {  	_ = 	snop  }
0x3c: {  	p2 =	seq.s32 s10, $0x1;
	s10 =	sld [smem:$0x3FB7]  }
0x3d: {  	_ =	shalt  }
0x3e: {  	_ =	shalt  }
0x3f: {  	_ =	shalt  }
0x40: {  	_ =	shalt  }
0x41: {  	_ =	shalt  }
0x42: {  	_ =	shalt  }
0x43: {  	_ =	shalt  }
0x44: {  	_ =	shalt  }
0x45: {  	_ =	shalt  }
0x46: {  	_ =	shalt  }
0x47: {  	_ =	shalt  }
0x48: {  	_ =	shalt  }
0x49: {  	_ =	shalt  }
0x4a: {  	_ =	shalt  }
0x4b: {  	_ =	shalt  }
0x4c: {  	_ =	shalt  }
0x4d: {  	_ =	shalt  }
0x4e: {  	_ =	shalt  }
0x4f: {  	_ =	shalt  }
0x50: {  	_ =	shalt  }
0x51: {  	_ =	shalt  }
0x52: {  	_ =	shalt  }
0x53: {  	_ =	shalt  }
0x54: {  	_ =	shalt  }
0x55: {  	_ =	shalt  }
0x56: {  	_ =	shalt  }
0x57: {  	_ =	shalt  }
0x58: {  	_ =	shalt  }
0x59: {  	_ =	shalt  }
0x5a: {  	_ =	shalt  }
0x5b: {  	_ =	shalt  }
0x5c: {  	_ =	shalt  }
0x5d: {  	_ =	shalt  }
0x5e: {  	_ =	shalt  }
0x5f: {  	_ =	shalt  }
0x60: {  	_ =	shalt  }
0x61: {  	_ =	shalt  }
0x62: {  	_ =	shalt  }
0x63: {  	_ =	shalt  }
0x64: {  	_ =	shalt  }
0x65: {  	_ =	shalt  }
0x66: {  	_ =	shalt  }
0x67: {  	_ =	shalt  }
0x68: {  	_ =	shalt  }
0x69: {  	_ =	shalt  }
0x6a: {  	_ =	shalt  }
0x6b: {  	_ =	shalt  }
0x6c: {  	_ =	shalt  }
0x6d: {  	_ =	shalt  }
0x6e: {  	_ =	shalt  }
0x6f: {  	_ =	shalt  }
0x70: {  	_ =	shalt  }
0x71: {  	_ =	shalt  }
0x72: {  	_ =	shalt  }
0x73: {  	_ =	shalt  }
0x74: {  	_ =	shalt  }
0x75: {  	_ =	shalt  }
0x76: {  	_ =	shalt  }
0x77: {  	_ =	shalt  }
0x78: {  	_ =	shalt  }
0x79: {  	_ =	shalt  }
0x7a: {  	_ =	shalt  }
0x7b: {  	_ =	shalt  }
0x7c: {  	_ =	shalt  }
0x7d: {  	_ =	shalt  }
0x7e: {  	_ =	shalt  }
0x7f: {  	_ =	shalt  }
0x80: {  	_ =	shalt  }
0x81: {  	_ =	shalt  }
0x82: {  	_ =	shalt  }
0x83: {  	_ =	shalt  }
0x84: {  	_ =	shalt  }
0x85: {  	_ =	shalt  }
0x86: {  	_ =	shalt  }
0x87: {  	_ =	shalt  }
.Lfunc_end0:
.L_simem_size_0:
called_computation.4_lowered:
.L_overlay_start_0:
0x88: {  	s2 =	sld [smem:$0x3FD9]  }
0x89: {  	s3 =	sld [smem:$0x3FFE];
	_ =	sdelay $0x1  }
0x8a: {  	s1 =	srdreg.scid  }
0x8b: {  	s0 =	sand.u32 $0x1, s1  }
0x8c: {  	s17 =	sshll.u32 s0, $0xA;
	s2 =	sadd.s32 s3, s2  }
0x8d: {  	s2 =	sadd.s32 s2, s17  }
0x8e: {  	[smem:$0x3FC3] =	sst s2  }
0x8f: {  	_ = 	snop  }
0x90: {  	s2 =	sld [smem:$0x3FD0];
	(tm) =	ssettm $0x1  }
0x91: {  	s18 =	sld [smem:$0x3FFB];
	_ =	sdelay $0x3  }
0x92: {  	_ =	strace s18  }
0x93: {  	s3 =	sld [smem:$0x3FFC];
	_ =	sdelay $0x3  }
0x94: {  	_ =	strace s3  }
0x95: {  	s3 =	sld [smem:$0x3FFD];
	_ =	sdelay $0x3  }
0x96: {  	_ =	strace s3  }
0x97: {  	_ =	strace $0x8FFFFFFF  }
0x98: {  	s19 =	sld [smem:$0x3FDB];
	_ =	sdelay $0x1  }
0x99: {  	s4 =	simm.s32 $_scs_section_size  }
0x9a: {  	s5 =	simm.s32 $_size__tile_overlayer_lowered;
	s6 =	simm.s32 $_tile_overlayer_lowered  }
0x9b: {  	s22 =	simm.s32 $0x1BFF;
	s21 =	sshll.u32 s6, $0x1;
	s3 =	sadd.s32 s4, s19  }
0x9c: {  	s7 =	simm.s32 $0x0;
	s20 =	sshll.u32 s5, $0x1;
	s5 =	sadd.s32 s21, s3  }
0x9d: {  	[timem:s7], [sflag:s22] =	dma.local [hbm:s5], s20  }
0x9e: {  	_ =	swait.ge [sflag:s22], s20  }
0x9f: {  	s4 =	ssub.s32 $0x0, s20;
	[sflag:s22] =	ssyncset.done $0x0  }
0xa0: {  	[sflag:s22] =	ssyncadd.s32 s4;
	_ =	sdelay $0x1  }
0xa1: {  	s23 =	simm.s32 $0x1B8B  }
0xa2: {  	_ =	swait.ge [sflag:s23], $0x1  }
0xa3: {  	[sflag:s23] =	ssyncset.done $0x0  }
0xa4: {  	s25 =	simm.s32 $0x1B8E;
	s24 =	sld [smem:$0x3FFE];
	[sflag:s23] =	ssyncadd.s32 $0xFFFFFFFF  }
0xa5: {  	s26 =	simm.s32 $execute0_lowered;
	[smem:$0x3FD2] =	sst s25  }
0xa6: {  	s5 =	sshll.u32 s26, $0x1;
	_ =	strace $0x80000052;
	[dreg:$0x1] =	wrdreg $0xFFFFFFFF  }
0xa7: {  	s28 =	simm.s32 $_size_execute0_lowered;
	s3 =	sadd.s32 s3, s5;
	[dreg:$0x0] =	wrdreg $0x0  }
0xa8: {  	s5 =	sshll.u32 s28, $0x1;
	[dreg:$0x2] =	wrdreg s3  }
0xa9: {  	[dreg:$0x3] =	wrdreg s5  }
0xaa: {  	[dreg:$0x4] =	wrdreg $0xC0  }
0xab: {  	_ =	task [dreg:s7], $0x5FFFF  }
0xac: {  	[dreg:$0x1] =	wrdreg $0xFFFFFFFF  }
0xad: {  	[dreg:$0x0] =	wrdreg $0x60  }
0xae: {  	[dreg:$0x2] =	wrdreg s24  }
0xaf: {  	[dreg:$0x3] =	wrdreg s2  }
0xb0: {  	[dreg:$0x4] =	wrdreg $0xB0000  }
0xb1: {  	[dreg:$0x5] =	wrdreg $0x9  }
0xb2: {  	_ =	task.clear_ibuf [dreg:s7], $0x6FFFF;
	_ =	strace $0x90000052  }
0xb3: {  	s29 =	simm.s32 $0x9;
	_ =	strace $0x80000054  }
0xb4: {  	_ =	swait.ge [sflag:s29], $0x1  }
0xb5: {  	[sflag:s29] =	ssyncadd.s32 $0xFFFFFFFF  }
0xb6: {  	_ =	strace $0x90000054  }
0xb7: {  	_ =	sfence  }
0xb8: {  	s30 =	sld [smem:$0x0];
	_ =	sdelay $0x2  }
0xb9: {  	s31 =	sshll.u32 s1, $0xD;
	s1 =	sshrl.u32 s1, $0x2  }
0xba: {  	s3 =	sand.u32 $0x4000, s31;
	s1 =	sadd.s32 s1, s30  }
0xbb: {  	s0 =	sor.u32 s3, s0;
	s1 =	sshll.u32 s1, $0x11  }
0xbc: {  	s0 =	sor.u32 s1, s0  }
0xbd: {  	s0 =	sadd.s32 $0x8F2B, s0  }
0xbe: {  	[sflag:s0] =	ssyncadd.remote.s32 $0x1  }
0xbf: {  	_ =	sfence.sel $0xFFFF  }
0xc0: {  	[dreg:$0x0] =	wrdreg $0xFFFFFFFF;
	(pc) =	sbr.abs _section_cstart, $3  }
0xc1: {  	[dreg:$0x1] =	wrdreg $0xFFFFFFFF  }
0xc2: {  	_ =	task.clear_ibuf [dreg:s7], $0x2FFFF;
	_ =	strace $0x9FFFFFFF  }
0xc3: {  	(tm) =	ssettm $0x7FFFFFFF  }
tec
execute0_lowered:
.L_overlay_start_1:
0x0: {  	(tag) =	ssettag $0x1  }
0x1: {  	s6 =	rddreg [dreg:$0x0]  }
0x2: {  	s8 =	rddreg [dreg:$0x1]  }
0x3: {  	s0 =	srdreg.scid;
	s2 =	rddreg [dreg:$0x2];
	s3 =	simm.s32 $0x0  }
0x4: {  	s14 =	simm.s32 $0x2;
	s15 =	simm.s32 $0x40;
	s16 =	simm.s32 $0x0  }
0x5: {  	s5 =	sand.u32 $0x1, s0;
	s0 =	stileid.u32;
	[smem:$0x7FF] =	sst s3  }
0x6: {  	s4 =	sadd.s32 $0xCA00, s6;
	s1 =	sshll.u32 s5, $0x4;
	s7 =	smul.u32 $0x14000, s0  }
0x7: {  	s10 =	smul.u32 $0x140000, s5;
	s12 =	ssub.s32 $0x2, s5;
	s5 =	sadd.s32 $0x34A00, s6  }
0x8: {  	s30 =	sshll.u32 s0, $0x6;
	s1 =	sor.u32 s0, s1;
	s13 =	sshrl.u32 s12, $0x1  }
0x9: {  	s9 =	smul.u32 $0x500, s1;
	s1 =	rddreg [dreg:$0x3];
	_ =	strace $0x80000053  }
.Ltmp0:
0xa: {  	s10 =	sadd.s32 s7, s10;
	s12 =	ssub.s32 s12, s13;
	(pc) =	sbr.rel .LBB2_1-.Ltmp0, $4  }
0xb: {  	s31 =	sadd.s32 s7, s2;
	s13 =	simm.s32 $0x2800;
	s10 =	sshrl.u32 s10, $0x3  }
0xc: {  	s11 =	sadd.s32 s9, s6;
	s10 =	sadd.s32 s10, s6;
	s6 =	sor.u32 $0x1C03, s30  }
0xd: {  	s8 =	sadd.s32 s8, s9;
	s7 =	sadd.s32 $0x2A00, s11;
	s9 =	sadd.s32 $0x37200, s10  }
0xe: {  	s10 =	smax.u32 s12, $0x1;
	s11 =	sshrl.u32 s31, $0x3;
	s12 =	simm.s32 $0x3  }
.LBB2_7:
0xf: {  	s16 =	sadd.s32 $0x1, s16  }
0x10: {  	p0 =	sne.s32 s16, s10  }
.Ltmp1:
0x11: {  	[bflag:$0x0] =	sbarrier.arrive $0xFFFF;
	(pc) =	sbr.rel @!p0 .LBB2_8-.Ltmp1, $4  }
0x12: {  	[hbm:s9], [sflag:s6] =	dma.local [spmem:s11], $0x2800  }
0x13: {  	_ =	swait.ge [sflag:s12], $0x2800  }
0x14: {  	[sflag:s12] =	ssyncset.done $0x0  }
0x15: {  	[sflag:s12] =	ssyncadd.s32 $0xFFFFD800  }
.LBB2_1:
0x16: {  	[spmem:s11], [sflag:s6] =	dma.local [hbm:s5], $0x2800  }
0x17: {  	_ =	swait.ge [sflag:s12], $0x2800  }
0x18: {  	[sflag:s12] =	ssyncset.done $0x0  }
0x19: {  	[sflag:s12] =	ssyncadd.s32 $0xFFFFD800  }
0x1a: {  	[tilespmem:s3], [sflag:$0x3] =	stream.linear.gather [hbm4b:s7+s3], $0x2800, $0x38;
	[tilespmem:$0x1F000] =	vst v63  }
0x1b: {  	_ =	swait.ge [sflag:s12], $0x2800  }
0x1c: {  	[sflag:s12] =	ssyncset.done $0x0  }
0x1d: {  	[sflag:s12] =	ssyncadd.s32 $0xFFFFD800  }
0x1e: {  	[tilespmem:s13], [sflag:$0x3] =	stream.linear.gather [hbm4b:s8+s3], $0x2800, $0x38;
	[tilespmem:$0x1F000] =	vst v63  }
.Ltmp2:
0x1f: {  	_ =	swait.ge [sflag:s12], $0x2800;
	(pc) =	sbr.rel .LBB2_2-.Ltmp2, $4  }
0x20: {  	[sflag:s12] =	ssyncset.done $0x0  }
0x21: {  	[sflag:s12] =	ssyncadd.s32 $0xFFFFD800  }
0x22: {  	[bflag:$0x0] =	sbarrier.arrive $0xFFFF  }
0x23: {  	s17 =	simm.s32 $0x2780;
	s18 =	simm.s32 $0x0;
	s19 =	simm.s32 $0x0  }
.LBB2_5:
0x24: {  	s20 =	sshll.u32 s20, $0xD  }
0x25: {  	s20 =	sand.u32 $0x3FFFE000, s20  }
0x26: {  	s20 =	sadd.s32 $0x5000, s20  }
0x27: {  	[tilespmem:s20], [sflag:$0x1] =	stream.indirect.gather [hbm4b:s4+s15], $0x80, s18, s15, $0xb8;
	[tilespmem:$0x1F000] =	vst v63  }
.LBB2_6:
0x28: {  	s19 =	sadd.s32 $0x1, s19  }
0x29: {  	p0 =	sne.s32 s19, $0xA3  }
.Ltmp3:
0x2a: {  	_ = 	snop;
	(pc) =	sbr.rel @!p0 .LBB2_7-.Ltmp3, $2  }
0x2b: {  	_ =	sdelay $0x2  }
0x2c: {  	s18 =	sadd.s32 $0x40, s18;
	s17 =	sadd.s32 $0x40, s17  }
.LBB2_2:
0x2d: {  	p0 =	slt.u32 s19, $0x2  }
0x2e: {  	p1 =	seq.s32 @!p0 s19, $0xA2  }
0x2f: {  	p0 =	por p1, p0  }
0x30: {  	s20 =	sadd.s32 @!p0 $0xFFFFFFFE, s19  }
0x31: {  	s21 =	sand.u32 @!p0 $0xFF, s20  }
0x32: {  	s21 =	smul.u32 @!p0 $0xAB, s21;
	_ =	sdelay $0x1  }
0x33: {  	s21 =	sshrl.u32 @!p0 s21, $0x9  }
0x34: {  	s21 =	smul.u32 @!p0 $0x3, s21;
	_ =	sdelay $0x1  }
0x35: {  	s20 =	ssub.s32 @!p0 s20, s21;
	s21 =	simm.s32 @!p0 $0x1  }
0x36: {  	s20 =	sand.u32 @!p0 $0xFF, s20;
	_ =	swait.ge @!p0 [sflag:s21], $0x2000  }
0x37: {  	s20 =	sshll.u32 @!p0 s20, $0xD;
	[sflag:s21] =	ssyncset.done @!p0 $0x0  }
0x38: {  	s20 =	sadd.s32 @!p0 $0x5000, s20;
	[sflag:s21] =	ssyncadd.s32 @!p0 $0xFFFFE000;
	s21 =	simm.s32 @!p0 $0x40  }
0x39: {  	[spmem:s2] =	stream.indirect.scatter.add.f32 @!p0 [tilespmem:s20], [sflag:$0x2], $0x80, s17, s21, $0xb8;
	[tilespmem:$0x1F000] =	vst v63  }
0x3a: {  	p0 =	slt.u32 s19, $0x3  }
.Ltmp4:
0x3b: {  	_ = 	snop;
	(pc) =	sbr.rel @p0 .LBB2_5-.Ltmp4, $2  }
0x3c: {  	_ =	sdelay $0x2  }
0x3d: {  	s20 =	smov.u32 s19  }
0x3e: {  	p0 =	sgt.u32 s19, $0x9F  }
.Ltmp5:
0x3f: {  	_ = 	snop;
	(pc) =	sbr.rel @p0 .LBB2_6-.Ltmp5, $4  }
0x40: {  	_ = 	snop  }
0x41: {  	_ =	swait.ge [sflag:s14], $0x2000  }
0x42: {  	[sflag:s14] =	ssyncset.done $0x0  }
0x43: {  	[sflag:s14] =	ssyncadd.s32 $0xFFFFE000  }
0x44: {  	s20 =	sadd.s32 $0xFFFFFFFD, s19  }
0x45: {  	s21 =	sand.u32 $0xFF, s20  }
0x46: {  	s21 =	smul.u32 $0xAB, s21;
	_ =	sdelay $0x1  }
.Ltmp6:
0x47: {  	s21 =	sshrl.u32 s21, $0x9;
	(pc) =	sbr.rel .LBB2_5-.Ltmp6, $3  }
0x48: {  	s21 =	smul.u32 $0x3, s21;
	_ =	sdelay $0x1  }
0x49: {  	s20 =	ssub.s32 s20, s21  }
0x4a: {  	s20 =	sand.u32 $0xFF, s20  }
.LBB2_8:
0x4b: {  	_ =	sfence.sel $0x180000  }
0x4c: {  	[bflag:$0x0] =	sbarrier.arrive $0xFFFF  }
0x4d: {  	p0 =	sne.s32 s0, $0x0;
	_ =	strace $0x90000053  }
0x4e: {  	s0 =	sadd.s32 @!p0 $0x100000, s1;
	[bflag:$0x2] =	sbarrier.arrive $0xFFFF  }
0x4f: {  	[sflag:s0] =	ssyncadd.tile.s32 @!p0 $0x1;
	_ =	shalt  }
.Lfunc_end2:
_tile_overlayer_lowered:
.L_overlay_start_2:
0x50: {  	(tag) =	ssettag $0x2  }
0x51: {  	s0 =	rddreg [dreg:$0x0];
	s2 =	stileid.u32  }
0x52: {  	s1 =	rddreg [dreg:$0x1];
	p0 =	sne.s32 s2, $0x0  }
0x53: {  	s3 =	rddreg [dreg:$0x2];
	[bflag:$0x3] =	sbarrier.arrive $0xFFFF;
	s2 =	simm.s32 @!p0 $0x1C03  }
0x54: {  	[timem:s3], [sflag:s2] =	dma.local @!p0 [hbm:s0], s1  }
0x55: {  	s0 =	simm.s32 @!p0 $0x3  }
0x56: {  	_ =	swait.ge @!p0 [sflag:s0], s1  }
0x57: {  	s1 =	ssub.s32 @!p0 $0x0, s1;
	[sflag:s0] =	ssyncset.done @!p0 $0x0  }
0x58: {  	[sflag:s0] =	ssyncadd.s32 @!p0 s1  }
0x59: {  	[bflag:$0x3] =	sbarrier.arrive $0xFFFF  }
0x5a: {  	_ =	shalt  }

</sc_bundles>
